<compile_context>
chip_gen: v7x
topology: tpu7x:2x2x1
jax: 0.10.2.dev20260603
libtpu: 0.0.44.dev20260713+nightly
codegen_flags: <defaults>
</compile_context>

<pallas_src>
import functools

import jax
import jax.numpy as jnp
from jax import lax
from jax.experimental import pallas as pl
from jax.experimental.pallas import tpu as pltpu
from jax.experimental.pallas import tpu_sc as plsc


_NBUF_TC = 8


def _tc_pool_body(x_hbm, o_ref, vmem, sem, *, nslab, slab_rows):
    def start(si, prio):
        slot = lax.rem(si, _NBUF_TC)
        pltpu.async_copy(
            x_hbm.at[pl.ds(si * slab_rows, slab_rows)],
            vmem.at[slot],
            sem.at[slot],
            priority=prio,
        )

    for s in range(_NBUF_TC - 1):
        start(s, s % 2)

    @pl.loop(0, nslab, step=2)
    def _steps(g):
        for u in range(2):
            si = g + u
            slot = lax.rem(si, _NBUF_TC)
            nxt = si + _NBUF_TC - 1

            @pl.when(nxt < nslab)
            def _():
                start(nxt, (u + 1) % 2)

            pltpu.make_async_copy(
                x_hbm.at[pl.ds(si * slab_rows, slab_rows)],
                vmem.at[slot],
                sem.at[slot],
            ).wait()
            o_ref[pl.ds(si * slab_rows, slab_rows)] = jnp.sum(
                vmem[slot], axis=(1, 2), keepdims=True
            )



_NC = 2
_NS = 16
_NW = _NC * _NS
_L = 16
_NBUF_SC = 3
_AHEAD = 2
_HCHUNKS = 6


def _sc_pool_body(x_hbm, out_hbm, *refs, plane_base, planes_per_tile,
                  hrows, width):
    bufs = refs[:_NBUF_SC]
    prow = refs[_NBUF_SC]
    sems = refs[_NBUF_SC + 1:]
    wid = lax.axis_index("s") * _NC + lax.axis_index("c")
    plane0 = plane_base + wid * planes_per_tile
    vecs_per_hrow = width // _L

    def start(r, hc, slot):
        pltpu.async_copy(
            x_hbm.at[plane0 + r, pl.ds(hc * hrows, hrows), :],
            bufs[slot],
            sems[slot],
        )

    for g in range(_AHEAD):
        start(0, g, g % _NBUF_SC)

    @pl.loop(0, planes_per_tile)
    def _planes(r):
        accs = [jnp.zeros((_L,), jnp.float32)] * 8
        for hc in range(_HCHUNKS):
            slot = hc % _NBUF_SC
            nslot = (hc + _AHEAD) % _NBUF_SC

            if hc + _AHEAD < _HCHUNKS:

                @pl.when(r < planes_per_tile)
                def _start_same_plane():
                    start(r, hc + _AHEAD, nslot)

            else:

                @pl.when(r + 1 < planes_per_tile)
                def _start_next_plane():
                    start(r + 1, hc + _AHEAD - _HCHUNKS, nslot)

            buf = bufs[slot]
            pltpu.make_async_copy(
                x_hbm.at[plane0, pl.ds(0, hrows), :], buf, sems[slot]
            ).wait()

            @pl.loop(0, hrows, init_carry=tuple(accs))
            def _acc(i, acc):
                acc = list(acc)
                for k in range(vecs_per_hrow):
                    acc[k % 8] = acc[k % 8] + buf[i, pl.ds(k * _L, _L)]
                return tuple(acc)

            accs = list(_acc)

        a = accs
        v = ((a[0] + a[1]) + (a[2] + a[3])) + \
            ((a[4] + a[5]) + (a[6] + a[7]))
        prow[pl.ds(pl.multiple_of(r * _L, _L), _L)] = v

    pltpu.sync_copy(prow, out_hbm.at[pl.ds(wid * planes_per_tile * _L,
                                           planes_per_tile * _L)])



def _proj_body(ptc_ref, psc_ref, mtc_ref, msc_ref, o_ref, *, inv_n):
    s_tc = ptc_ref[...] * inv_n
    s_sc = jnp.sum(psc_ref[...], axis=1, keepdims=True) * inv_n
    o_ref[...] = jax.lax.dot_general(
        mtc_ref[...], s_tc, (((1,), (0,)), ((), ())),
        preferred_element_type=jnp.float32,
    ) + jax.lax.dot_general(
        msc_ref[...], s_sc, (((1,), (0,)), ((), ())),
        preferred_element_type=jnp.float32,
    )


def kernel(x, W):
    B, C, H, Wd = x.shape
    N = H * Wd
    E = W.shape[0]
    R = B * C

    r_sc = 192
    r_tc = R - r_sc

    slab_rows = 8
    nslab = r_tc // slab_rows

    x3 = x.reshape(R, H, Wd)

    tc_sums = pl.pallas_call(
        functools.partial(_tc_pool_body, nslab=nslab, slab_rows=slab_rows),
        in_specs=[pl.BlockSpec(memory_space=pl.ANY)],
        out_specs=pl.BlockSpec(memory_space=pltpu.MemorySpace.VMEM),
        out_shape=jax.ShapeDtypeStruct((r_tc, 1, 1), jnp.float32),
        scratch_shapes=[
            pltpu.VMEM((_NBUF_TC, slab_rows, H, Wd), jnp.float32),
            pltpu.SemaphoreType.DMA((_NBUF_TC,)),
        ],
        compiler_params=pltpu.CompilerParams(
            vmem_limit_bytes=100 * 1024 * 1024,
        ),
    )(x3)

    planes_per_tile = r_sc // _NW
    hrows = H // _HCHUNKS

    mesh = plsc.VectorSubcoreMesh(core_axis_name="c", subcore_axis_name="s")
    sc_partials = pl.kernel(
        functools.partial(
            _sc_pool_body,
            plane_base=r_tc,
            planes_per_tile=planes_per_tile,
            hrows=hrows,
            width=Wd,
        ),
        out_type=jax.ShapeDtypeStruct((r_sc * _L,), jnp.float32),
        mesh=mesh,
        scratch_types=(
            [pltpu.VMEM((hrows, Wd), jnp.float32)] * _NBUF_SC
            + [pltpu.VMEM((planes_per_tile * _L,), jnp.float32)]
            + [pltpu.SemaphoreType.DMA] * _NBUF_SC
        ),
    )(x3)

    M = (jnp.eye(B, dtype=jnp.float32)[:, None, :, None]
         * W[None, :, None, :]).reshape(B * E, R)

    logits_flat = pl.pallas_call(
        functools.partial(_proj_body, inv_n=1.0 / N),
        in_specs=[
            pl.BlockSpec((r_tc, 1), lambda: (0, 0)),
            pl.BlockSpec((r_sc, _L), lambda: (0, 0)),
            pl.BlockSpec((B * E, r_tc), lambda: (0, 0)),
            pl.BlockSpec((B * E, r_sc), lambda: (0, 0)),
        ],
        out_specs=pl.BlockSpec((B * E, 1), lambda: (0, 0)),
        out_shape=jax.ShapeDtypeStruct((B * E, 1), jnp.float32),
    )(tc_sums.reshape(r_tc, 1), sc_partials.reshape(r_sc, _L),
      M[:, :r_tc], M[:, r_tc:])

    return logits_flat.reshape(B, E)

# --- scband reference (transcript-rebuilt; emitter-appended) ---
"""Pipeline reference for scband-router-72713796321855 (READ-ONLY COPY).

The authoritative reference and input builder live on the scoring server;
editing this copy changes nothing except your own understanding.
"""

import jax, jax.numpy as jnp
import numpy as np


def setup_inputs(seed: int = 0) -> dict:
    key = jax.random.key(seed)
    k1, k2 = jax.random.split(key)
    x = jax.random.normal(k1, (8, 96, 384, 384), dtype=jnp.float32)
    # nn.Linear(in_ch=96, num_experts=16, bias=False) weight: [out, in]
    bound = 1.0 / np.sqrt(96.0)
    W = jax.random.uniform(k2, (16, 96), dtype=jnp.float32, minval=-bound, maxval=bound)
    return {"x": x, "W": W}


def reference(x, W):
    # AdaptiveAvgPool2d(1) -> global mean over H, W
    pooled = jnp.mean(x, axis=(2, 3))  # [B, C]
    # Rearrange 'b c 1 1 -> b c' already folded into mean
    # Linear(in_ch, num_experts, bias=False): y = pooled @ W.T
    logits = pooled @ W.T  # [B, num_experts]
    return logits

if __name__ == "__main__":
    import jax
    _d = setup_inputs()
    print(jax.jit(kernel)(*tuple(_d.values())))

</pallas_src>

<mosaic_0001>
#map = affine_map<(d0, d1) -> (0, 0, 0)>
#map1 = affine_map<(d0, d1) -> (0)>
module attributes {stable_mosaic.version = 14 : i64} {
  func.func @_sc_pool_body(%arg0: i32, %arg1: i32, %arg2: memref<768x384x384xf32, #tpu.memory_space<hbm>>, %arg3: memref<3072xf32, #tpu.memory_space<hbm>>, %arg4: memref<64x384xf32, #tpu.memory_space<vmem>>, %arg5: memref<64x384xf32, #tpu.memory_space<vmem>>, %arg6: memref<64x384xf32, #tpu.memory_space<vmem>>, %arg7: memref<96xf32, #tpu.memory_space<vmem>>, %arg8: memref<!tpu.dma_semaphore, #tpu.memory_space<semaphore_mem>>, %arg9: memref<!tpu.dma_semaphore, #tpu.memory_space<semaphore_mem>>, %arg10: memref<!tpu.dma_semaphore, #tpu.memory_space<semaphore_mem>>) attributes {dimension_semantics = [#tpu.dimension_semantics<core_parallel>, #tpu.dimension_semantics<subcore_parallel>], iteration_bounds = array<i64: 2, 16>, scalar_prefetch = 0 : i64, scratch_operands = 7 : i64, tpu.core_type = #tpu.core_type<sc_vector_subcore>, window_params = [{transform_indices = #map}, {transform_indices = #map1}]} {
    %mul3A = arith.constant 2 : i32
    %mul3A_0 = arith.muli %arg1, %mul3A : i32
    %add3A = arith.addi %mul3A_0, %arg0 : i32
    %mul3A_1 = arith.constant 6 : i32
    %mul3A_2 = arith.muli %add3A, %mul3A_1 : i32
    %add3A_3 = arith.constant 576 : i32
    %add3A_4 = arith.addi %add3A_3, %mul3A_2 : i32
    %add3A_5 = arith.constant 0 : i32
    %add3A_6 = arith.addi %add3A_4, %add3A_5 : i32
    %dma_start3A = arith.constant 0 : i32
    %dma_start3A_7 = arith.constant 0 : i32
    %dma_start3A_8 = tpu.memref_slice %arg2[%add3A_6, %dma_start3A, %dma_start3A_7] : memref<768x384x384xf32, #tpu.memory_space<hbm>> -> memref<1x64x384xf32, #tpu.memory_space<hbm>>
    %dma_start3A_9 = tpu.memref_squeeze %dma_start3A_8 : memref<1x64x384xf32, #tpu.memory_space<hbm>> -> memref<64x384xf32, #tpu.memory_space<hbm>>
    %dma_start3A_10 = arith.constant 0 : i32
    %dma_start3A_11 = arith.constant 0 : i32
    %dma_start3A_12 = tpu.memref_slice %arg2[%add3A_6, %dma_start3A_10, %dma_start3A_11] : memref<768x384x384xf32, #tpu.memory_space<hbm>> -> memref<1x64x384xf32, #tpu.memory_space<hbm>>
    %dma_start3A_13 = tpu.memref_squeeze %dma_start3A_12 : memref<1x64x384xf32, #tpu.memory_space<hbm>> -> memref<64x384xf32, #tpu.memory_space<hbm>>
    tpu.enqueue_dma source(%dma_start3A_13 : memref<64x384xf32, #tpu.memory_space<hbm>>) target(%arg4 : memref<64x384xf32, #tpu.memory_space<vmem>>) target_semaphore(%arg8 : memref<!tpu.dma_semaphore, #tpu.memory_space<semaphore_mem>>)
    %add3A_14 = arith.constant 0 : i32
    %add3A_15 = arith.addi %add3A_4, %add3A_14 : i32
    %dma_start3A_16 = arith.constant 64 : i32
    %dma_start3A_17 = arith.constant 0 : i32
    %dma_start3A_18 = tpu.memref_slice %arg2[%add3A_15, %dma_start3A_16, %dma_start3A_17] : memref<768x384x384xf32, #tpu.memory_space<hbm>> -> memref<1x64x384xf32, #tpu.memory_space<hbm>>
    %dma_start3A_19 = tpu.memref_squeeze %dma_start3A_18 : memref<1x64x384xf32, #tpu.memory_space<hbm>> -> memref<64x384xf32, #tpu.memory_space<hbm>>
    %dma_start3A_20 = arith.constant 64 : i32
    %dma_start3A_21 = arith.constant 0 : i32
    %dma_start3A_22 = tpu.memref_slice %arg2[%add3A_15, %dma_start3A_20, %dma_start3A_21] : memref<768x384x384xf32, #tpu.memory_space<hbm>> -> memref<1x64x384xf32, #tpu.memory_space<hbm>>
    %dma_start3A_23 = tpu.memref_squeeze %dma_start3A_22 : memref<1x64x384xf32, #tpu.memory_space<hbm>> -> memref<64x384xf32, #tpu.memory_space<hbm>>
    tpu.enqueue_dma source(%dma_start3A_23 : memref<64x384xf32, #tpu.memory_space<hbm>>) target(%arg5 : memref<64x384xf32, #tpu.memory_space<vmem>>) target_semaphore(%arg9 : memref<!tpu.dma_semaphore, #tpu.memory_space<semaphore_mem>>)
    %scan3A = arith.constant 0 : i32
    %scan3A_24 = arith.constant 6 : i32
    %scan3A_25 = arith.addi %scan3A, %scan3A_24 : i32
    %scan3A_26 = arith.constant 1 : i32
    scf.for %scan3A_32 = %scan3A to %scan3A_25 step %scan3A_26  : i32 {
      %mul3A_33 = arith.constant 1 : i32
      %mul3A_34 = arith.muli %scan3A_32, %mul3A_33 : i32
      %add3A_35 = arith.constant 0 : i32
      %add3A_36 = arith.addi %add3A_35, %mul3A_34 : i32
      %broadcast_in_dim3A = arith.constant 0.000000e+00 : f32
      %broadcast_in_dim3A_37 = vector.broadcast %broadcast_in_dim3A : f32 to vector<16xf32>
      %lt3A = arith.constant 6 : i32
      %lt3A_38 = arith.cmpi slt, %add3A_36, %lt3A : i32
      %convert_element_type3A = arith.extui %lt3A_38 : i1 to i32
      %cond3A = arith.constant 0 : i32
      %cond3A_39 = arith.cmpi ne, %convert_element_type3A, %cond3A : i32
      scf.if %cond3A_39 {
        %add3A_164 = arith.addi %add3A_4, %add3A_36 : i32
        %dma_start3A_165 = arith.constant 128 : i32
        %dma_start3A_166 = arith.constant 0 : i32
        %dma_start3A_167 = tpu.memref_slice %arg2[%add3A_164, %dma_start3A_165, %dma_start3A_166] : memref<768x384x384xf32, #tpu.memory_space<hbm>> -> memref<1x64x384xf32, #tpu.memory_space<hbm>>
        %dma_start3A_168 = tpu.memref_squeeze %dma_start3A_167 : memref<1x64x384xf32, #tpu.memory_space<hbm>> -> memref<64x384xf32, #tpu.memory_space<hbm>>
        %dma_start3A_169 = arith.constant 128 : i32
        %dma_start3A_170 = arith.constant 0 : i32
        %dma_start3A_171 = tpu.memref_slice %arg2[%add3A_164, %dma_start3A_169, %dma_start3A_170] : memref<768x384x384xf32, #tpu.memory_space<hbm>> -> memref<1x64x384xf32, #tpu.memory_space<hbm>>
        %dma_start3A_172 = tpu.memref_squeeze %dma_start3A_171 : memref<1x64x384xf32, #tpu.memory_space<hbm>> -> memref<64x384xf32, #tpu.memory_space<hbm>>
        tpu.enqueue_dma source(%dma_start3A_172 : memref<64x384xf32, #tpu.memory_space<hbm>>) target(%arg6 : memref<64x384xf32, #tpu.memory_space<vmem>>) target_semaphore(%arg10 : memref<!tpu.dma_semaphore, #tpu.memory_space<semaphore_mem>>)
      } else {
      }
      %dma_wait3A = arith.constant 0 : i32
      %dma_wait3A_40 = arith.constant 0 : i32
      %dma_wait3A_41 = tpu.memref_slice %arg2[%add3A_4, %dma_wait3A, %dma_wait3A_40] : memref<768x384x384xf32, #tpu.memory_space<hbm>> -> memref<1x64x384xf32, #tpu.memory_space<hbm>>
      %dma_wait3A_42 = tpu.memref_squeeze %dma_wait3A_41 : memref<1x64x384xf32, #tpu.memory_space<hbm>> -> memref<64x384xf32, #tpu.memory_space<hbm>>
      %dma_wait3A_43 = arith.constant 0 : i32
      %dma_wait3A_44 = arith.constant 0 : i32
      %dma_wait3A_45 = tpu.memref_slice %arg2[%add3A_4, %dma_wait3A_43, %dma_wait3A_44] : memref<768x384x384xf32, #tpu.memory_space<hbm>> -> memref<1x64x384xf32, #tpu.memory_space<hbm>>
      %dma_wait3A_46 = tpu.memref_squeeze %dma_wait3A_45 : memref<1x64x384xf32, #tpu.memory_space<hbm>> -> memref<64x384xf32, #tpu.memory_space<hbm>>
      tpu.wait_dma2 semaphore(%arg8 : memref<!tpu.dma_semaphore, #tpu.memory_space<semaphore_mem>>) src(%dma_wait3A_46 : memref<64x384xf32, #tpu.memory_space<hbm>>) dst(%arg4 : memref<64x384xf32, #tpu.memory_space<vmem>>)
      %scan3A_47 = arith.constant 0 : i32
      %scan3A_48 = arith.constant 64 : i32
      %scan3A_49 = arith.addi %scan3A_47, %scan3A_48 : i32
      %scan3A_50 = arith.constant 1 : i32
      %scan3A_51:8 = scf.for %scan3A_164 = %scan3A_47 to %scan3A_49 step %scan3A_50 iter_args(%scan3A_165 = %broadcast_in_dim3A_37, %scan3A_166 = %broadcast_in_dim3A_37, %scan3A_167 = %broadcast_in_dim3A_37, %scan3A_168 = %broadcast_in_dim3A_37, %scan3A_169 = %broadcast_in_dim3A_37, %scan3A_170 = %broadcast_in_dim3A_37, %scan3A_171 = %broadcast_in_dim3A_37, %scan3A_172 = %broadcast_in_dim3A_37) -> (vector<16xf32>, vector<16xf32>, vector<16xf32>, vector<16xf32>, vector<16xf32>, vector<16xf32>, vector<16xf32>, vector<16xf32>)  : i32 {
        %mul3A_173 = arith.constant 1 : i32
        %mul3A_174 = arith.muli %scan3A_164, %mul3A_173 : i32
        %add3A_175 = arith.constant 0 : i32
        %add3A_176 = arith.addi %add3A_175, %mul3A_174 : i32
        %get3A = arith.index_cast %add3A_176 : i32 to index
        %get3A_177 = arith.constant 0 : index
        %get3A_178 = tpu.vector_load %arg4[%get3A, %get3A_177] {strides = array<i32>} : memref<64x384xf32, #tpu.memory_space<vmem>>, vector<1x16xf32>,
        %get3A_179 = vector.shape_cast %get3A_178 : vector<1x16xf32> to vector<16xf32>
        %add3A_180 = arith.addf %scan3A_165, %get3A_179 : vector<16xf32>
        %get3A_181 = arith.index_cast %add3A_176 : i32 to index
        %get3A_182 = arith.constant 16 : index
        %get3A_183 = tpu.vector_load %arg4[%get3A_181, %get3A_182] {strides = array<i32>} : memref<64x384xf32, #tpu.memory_space<vmem>>, vector<1x16xf32>,
        %get3A_184 = vector.shape_cast %get3A_183 : vector<1x16xf32> to vector<16xf32>
        %add3A_185 = arith.addf %scan3A_166, %get3A_184 : vector<16xf32>
        %get3A_186 = arith.index_cast %add3A_176 : i32 to index
        %get3A_187 = arith.constant 32 : index
        %get3A_188 = tpu.vector_load %arg4[%get3A_186, %get3A_187] {strides = array<i32>} : memref<64x384xf32, #tpu.memory_space<vmem>>, vector<1x16xf32>,
        %get3A_189 = vector.shape_cast %get3A_188 : vector<1x16xf32> to vector<16xf32>
        %add3A_190 = arith.addf %scan3A_167, %get3A_189 : vector<16xf32>
        %get3A_191 = arith.index_cast %add3A_176 : i32 to index
        %get3A_192 = arith.constant 48 : index
        %get3A_193 = tpu.vector_load %arg4[%get3A_191, %get3A_192] {strides = array<i32>} : memref<64x384xf32, #tpu.memory_space<vmem>>, vector<1x16xf32>,
        %get3A_194 = vector.shape_cast %get3A_193 : vector<1x16xf32> to vector<16xf32>
        %add3A_195 = arith.addf %scan3A_168, %get3A_194 : vector<16xf32>
        %get3A_196 = arith.index_cast %add3A_176 : i32 to index
        %get3A_197 = arith.constant 64 : index
        %get3A_198 = tpu.vector_load %arg4[%get3A_196, %get3A_197] {strides = array<i32>} : memref<64x384xf32, #tpu.memory_space<vmem>>, vector<1x16xf32>,
        %get3A_199 = vector.shape_cast %get3A_198 : vector<1x16xf32> to vector<16xf32>
        %add3A_200 = arith.addf %scan3A_169, %get3A_199 : vector<16xf32>
        %get3A_201 = arith.index_cast %add3A_176 : i32 to index
        %get3A_202 = arith.constant 80 : index
        %get3A_203 = tpu.vector_load %arg4[%get3A_201, %get3A_202] {strides = array<i32>} : memref<64x384xf32, #tpu.memory_space<vmem>>, vector<1x16xf32>,
        %get3A_204 = vector.shape_cast %get3A_203 : vector<1x16xf32> to vector<16xf32>
        %add3A_205 = arith.addf %scan3A_170, %get3A_204 : vector<16xf32>
        %get3A_206 = arith.index_cast %add3A_176 : i32 to index
        %get3A_207 = arith.constant 96 : index
        %get3A_208 = tpu.vector_load %arg4[%get3A_206, %get3A_207] {strides = array<i32>} : memref<64x384xf32, #tpu.memory_space<vmem>>, vector<1x16xf32>,
        %get3A_209 = vector.shape_cast %get3A_208 : vector<1x16xf32> to vector<16xf32>
        %add3A_210 = arith.addf %scan3A_171, %get3A_209 : vector<16xf32>
        %get3A_211 = arith.index_cast %add3A_176 : i32 to index
        %get3A_212 = arith.constant 112 : index
        %get3A_213 = tpu.vector_load %arg4[%get3A_211, %get3A_212] {strides = array<i32>} : memref<64x384xf32, #tpu.memory_space<vmem>>, vector<1x16xf32>,
        %get3A_214 = vector.shape_cast %get3A_213 : vector<1x16xf32> to vector<16xf32>
        %add3A_215 = arith.addf %scan3A_172, %get3A_214 : vector<16xf32>
        %get3A_216 = arith.index_cast %add3A_176 : i32 to index
        %get3A_217 = arith.constant 128 : index
        %get3A_218 = tpu.vector_load %arg4[%get3A_216, %get3A_217] {strides = array<i32>} : memref<64x384xf32, #tpu.memory_space<vmem>>, vector<1x16xf32>,
        %get3A_219 = vector.shape_cast %get3A_218 : vector<1x16xf32> to vector<16xf32>
        %add3A_220 = arith.addf %add3A_180, %get3A_219 : vector<16xf32>
        %get3A_221 = arith.index_cast %add3A_176 : i32 to index
        %get3A_222 = arith.constant 144 : index
        %get3A_223 = tpu.vector_load %arg4[%get3A_221, %get3A_222] {strides = array<i32>} : memref<64x384xf32, #tpu.memory_space<vmem>>, vector<1x16xf32>,
        %get3A_224 = vector.shape_cast %get3A_223 : vector<1x16xf32> to vector<16xf32>
        %add3A_225 = arith.addf %add3A_185, %get3A_224 : vector<16xf32>
        %get3A_226 = arith.index_cast %add3A_176 : i32 to index
        %get3A_227 = arith.constant 160 : index
        %get3A_228 = tpu.vector_load %arg4[%get3A_226, %get3A_227] {strides = array<i32>} : memref<64x384xf32, #tpu.memory_space<vmem>>, vector<1x16xf32>,
        %get3A_229 = vector.shape_cast %get3A_228 : vector<1x16xf32> to vector<16xf32>
        %add3A_230 = arith.addf %add3A_190, %get3A_229 : vector<16xf32>
        %get3A_231 = arith.index_cast %add3A_176 : i32 to index
        %get3A_232 = arith.constant 176 : index
        %get3A_233 = tpu.vector_load %arg4[%get3A_231, %get3A_232] {strides = array<i32>} : memref<64x384xf32, #tpu.memory_space<vmem>>, vector<1x16xf32>,
        %get3A_234 = vector.shape_cast %get3A_233 : vector<1x16xf32> to vector<16xf32>
        %add3A_235 = arith.addf %add3A_195, %get3A_234 : vector<16xf32>
        %get3A_236 = arith.index_cast %add3A_176 : i32 to index
        %get3A_237 = arith.constant 192 : index
        %get3A_238 = tpu.vector_load %arg4[%get3A_236, %get3A_237] {strides = array<i32>} : memref<64x384xf32, #tpu.memory_space<vmem>>, vector<1x16xf32>,
        %get3A_239 = vector.shape_cast %get3A_238 : vector<1x16xf32> to vector<16xf32>
        %add3A_240 = arith.addf %add3A_200, %get3A_239 : vector<16xf32>
        %get3A_241 = arith.index_cast %add3A_176 : i32 to index
        %get3A_242 = arith.constant 208 : index
        %get3A_243 = tpu.vector_load %arg4[%get3A_241, %get3A_242] {strides = array<i32>} : memref<64x384xf32, #tpu.memory_space<vmem>>, vector<1x16xf32>,
        %get3A_244 = vector.shape_cast %get3A_243 : vector<1x16xf32> to vector<16xf32>
        %add3A_245 = arith.addf %add3A_205, %get3A_244 : vector<16xf32>
        %get3A_246 = arith.index_cast %add3A_176 : i32 to index
        %get3A_247 = arith.constant 224 : index
        %get3A_248 = tpu.vector_load %arg4[%get3A_246, %get3A_247] {strides = array<i32>} : memref<64x384xf32, #tpu.memory_space<vmem>>, vector<1x16xf32>,
        %get3A_249 = vector.shape_cast %get3A_248 : vector<1x16xf32> to vector<16xf32>
        %add3A_250 = arith.addf %add3A_210, %get3A_249 : vector<16xf32>
        %get3A_251 = arith.index_cast %add3A_176 : i32 to index
        %get3A_252 = arith.constant 240 : index
        %get3A_253 = tpu.vector_load %arg4[%get3A_251, %get3A_252] {strides = array<i32>} : memref<64x384xf32, #tpu.memory_space<vmem>>, vector<1x16xf32>,
        %get3A_254 = vector.shape_cast %get3A_253 : vector<1x16xf32> to vector<16xf32>
        %add3A_255 = arith.addf %add3A_215, %get3A_254 : vector<16xf32>
        %get3A_256 = arith.index_cast %add3A_176 : i32 to index
        %get3A_257 = arith.constant 256 : index
        %get3A_258 = tpu.vector_load %arg4[%get3A_256, %get3A_257] {strides = array<i32>} : memref<64x384xf32, #tpu.memory_space<vmem>>, vector<1x16xf32>,
        %get3A_259 = vector.shape_cast %get3A_258 : vector<1x16xf32> to vector<16xf32>
        %add3A_260 = arith.addf %add3A_220, %get3A_259 : vector<16xf32>
        %get3A_261 = arith.index_cast %add3A_176 : i32 to index
        %get3A_262 = arith.constant 272 : index
        %get3A_263 = tpu.vector_load %arg4[%get3A_261, %get3A_262] {strides = array<i32>} : memref<64x384xf32, #tpu.memory_space<vmem>>, vector<1x16xf32>,
        %get3A_264 = vector.shape_cast %get3A_263 : vector<1x16xf32> to vector<16xf32>
        %add3A_265 = arith.addf %add3A_225, %get3A_264 : vector<16xf32>
        %get3A_266 = arith.index_cast %add3A_176 : i32 to index
        %get3A_267 = arith.constant 288 : index
        %get3A_268 = tpu.vector_load %arg4[%get3A_266, %get3A_267] {strides = array<i32>} : memref<64x384xf32, #tpu.memory_space<vmem>>, vector<1x16xf32>,
        %get3A_269 = vector.shape_cast %get3A_268 : vector<1x16xf32> to vector<16xf32>
        %add3A_270 = arith.addf %add3A_230, %get3A_269 : vector<16xf32>
        %get3A_271 = arith.index_cast %add3A_176 : i32 to index
        %get3A_272 = arith.constant 304 : index
        %get3A_273 = tpu.vector_load %arg4[%get3A_271, %get3A_272] {strides = array<i32>} : memref<64x384xf32, #tpu.memory_space<vmem>>, vector<1x16xf32>,
        %get3A_274 = vector.shape_cast %get3A_273 : vector<1x16xf32> to vector<16xf32>
        %add3A_275 = arith.addf %add3A_235, %get3A_274 : vector<16xf32>
        %get3A_276 = arith.index_cast %add3A_176 : i32 to index
        %get3A_277 = arith.constant 320 : index
        %get3A_278 = tpu.vector_load %arg4[%get3A_276, %get3A_277] {strides = array<i32>} : memref<64x384xf32, #tpu.memory_space<vmem>>, vector<1x16xf32>,
        %get3A_279 = vector.shape_cast %get3A_278 : vector<1x16xf32> to vector<16xf32>
        %add3A_280 = arith.addf %add3A_240, %get3A_279 : vector<16xf32>
        %get3A_281 = arith.index_cast %add3A_176 : i32 to index
        %get3A_282 = arith.constant 336 : index
        %get3A_283 = tpu.vector_load %arg4[%get3A_281, %get3A_282] {strides = array<i32>} : memref<64x384xf32, #tpu.memory_space<vmem>>, vector<1x16xf32>,
        %get3A_284 = vector.shape_cast %get3A_283 : vector<1x16xf32> to vector<16xf32>
        %add3A_285 = arith.addf %add3A_245, %get3A_284 : vector<16xf32>
        %get3A_286 = arith.index_cast %add3A_176 : i32 to index
        %get3A_287 = arith.constant 352 : index
        %get3A_288 = tpu.vector_load %arg4[%get3A_286, %get3A_287] {strides = array<i32>} : memref<64x384xf32, #tpu.memory_space<vmem>>, vector<1x16xf32>,
        %get3A_289 = vector.shape_cast %get3A_288 : vector<1x16xf32> to vector<16xf32>
        %add3A_290 = arith.addf %add3A_250, %get3A_289 : vector<16xf32>
        %get3A_291 = arith.index_cast %add3A_176 : i32 to index
        %get3A_292 = arith.constant 368 : index
        %get3A_293 = tpu.vector_load %arg4[%get3A_291, %get3A_292] {strides = array<i32>} : memref<64x384xf32, #tpu.memory_space<vmem>>, vector<1x16xf32>,
        %get3A_294 = vector.shape_cast %get3A_293 : vector<1x16xf32> to vector<16xf32>
        %add3A_295 = arith.addf %add3A_255, %get3A_294 : vector<16xf32>
        scf.yield %add3A_260, %add3A_265, %add3A_270, %add3A_275, %add3A_280, %add3A_285, %add3A_290, %add3A_295 : vector<16xf32>, vector<16xf32>, vector<16xf32>, vector<16xf32>, vector<16xf32>, vector<16xf32>, vector<16xf32>, vector<16xf32>
      }
      %scan3A_52 = arith.constant 64 : i32
      %lt3A_53 = arith.constant 6 : i32
      %lt3A_54 = arith.cmpi slt, %add3A_36, %lt3A_53 : i32
      %convert_element_type3A_55 = arith.extui %lt3A_54 : i1 to i32
      %cond3A_56 = arith.constant 0 : i32
      %cond3A_57 = arith.cmpi ne, %convert_element_type3A_55, %cond3A_56 : i32
      scf.if %cond3A_57 {
        %add3A_164 = arith.addi %add3A_4, %add3A_36 : i32
        %dma_start3A_165 = arith.constant 192 : i32
        %dma_start3A_166 = arith.constant 0 : i32
        %dma_start3A_167 = tpu.memref_slice %arg2[%add3A_164, %dma_start3A_165, %dma_start3A_166] : memref<768x384x384xf32, #tpu.memory_space<hbm>> -> memref<1x64x384xf32, #tpu.memory_space<hbm>>
        %dma_start3A_168 = tpu.memref_squeeze %dma_start3A_167 : memref<1x64x384xf32, #tpu.memory_space<hbm>> -> memref<64x384xf32, #tpu.memory_space<hbm>>
        %dma_start3A_169 = arith.constant 192 : i32
        %dma_start3A_170 = arith.constant 0 : i32
        %dma_start3A_171 = tpu.memref_slice %arg2[%add3A_164, %dma_start3A_169, %dma_start3A_170] : memref<768x384x384xf32, #tpu.memory_space<hbm>> -> memref<1x64x384xf32, #tpu.memory_space<hbm>>
        %dma_start3A_172 = tpu.memref_squeeze %dma_start3A_171 : memref<1x64x384xf32, #tpu.memory_space<hbm>> -> memref<64x384xf32, #tpu.memory_space<hbm>>
        tpu.enqueue_dma source(%dma_start3A_172 : memref<64x384xf32, #tpu.memory_space<hbm>>) target(%arg4 : memref<64x384xf32, #tpu.memory_space<vmem>>) target_semaphore(%arg8 : memref<!tpu.dma_semaphore, #tpu.memory_space<semaphore_mem>>)
      } else {
      }
      %dma_wait3A_58 = arith.constant 0 : i32
      %dma_wait3A_59 = arith.constant 0 : i32
      %dma_wait3A_60 = tpu.memref_slice %arg2[%add3A_4, %dma_wait3A_58, %dma_wait3A_59] : memref<768x384x384xf32, #tpu.memory_space<hbm>> -> memref<1x64x384xf32, #tpu.memory_space<hbm>>
      %dma_wait3A_61 = tpu.memref_squeeze %dma_wait3A_60 : memref<1x64x384xf32, #tpu.memory_space<hbm>> -> memref<64x384xf32, #tpu.memory_space<hbm>>
      %dma_wait3A_62 = arith.constant 0 : i32
      %dma_wait3A_63 = arith.constant 0 : i32
      %dma_wait3A_64 = tpu.memref_slice %arg2[%add3A_4, %dma_wait3A_62, %dma_wait3A_63] : memref<768x384x384xf32, #tpu.memory_space<hbm>> -> memref<1x64x384xf32, #tpu.memory_space<hbm>>
      %dma_wait3A_65 = tpu.memref_squeeze %dma_wait3A_64 : memref<1x64x384xf32, #tpu.memory_space<hbm>> -> memref<64x384xf32, #tpu.memory_space<hbm>>
      tpu.wait_dma2 semaphore(%arg9 : memref<!tpu.dma_semaphore, #tpu.memory_space<semaphore_mem>>) src(%dma_wait3A_65 : memref<64x384xf32, #tpu.memory_space<hbm>>) dst(%arg5 : memref<64x384xf32, #tpu.memory_space<vmem>>)
      %scan3A_66 = arith.constant 0 : i32
      %scan3A_67 = arith.constant 64 : i32
      %scan3A_68 = arith.addi %scan3A_66, %scan3A_67 : i32
      %scan3A_69 = arith.constant 1 : i32
      %scan3A_70:8 = scf.for %scan3A_164 = %scan3A_66 to %scan3A_68 step %scan3A_69 iter_args(%scan3A_165 = %scan3A_51#0, %scan3A_166 = %scan3A_51#1, %scan3A_167 = %scan3A_51#2, %scan3A_168 = %scan3A_51#3, %scan3A_169 = %scan3A_51#4, %scan3A_170 = %scan3A_51#5, %scan3A_171 = %scan3A_51#6, %scan3A_172 = %scan3A_51#7) -> (vector<16xf32>, vector<16xf32>, vector<16xf32>, vector<16xf32>, vector<16xf32>, vector<16xf32>, vector<16xf32>, vector<16xf32>)  : i32 {
        %mul3A_173 = arith.constant 1 : i32
        %mul3A_174 = arith.muli %scan3A_164, %mul3A_173 : i32
        %add3A_175 = arith.constant 0 : i32
        %add3A_176 = arith.addi %add3A_175, %mul3A_174 : i32
        %get3A = arith.index_cast %add3A_176 : i32 to index
        %get3A_177 = arith.constant 0 : index
        %get3A_178 = tpu.vector_load %arg5[%get3A, %get3A_177] {strides = array<i32>} : memref<64x384xf32, #tpu.memory_space<vmem>>, vector<1x16xf32>,
        %get3A_179 = vector.shape_cast %get3A_178 : vector<1x16xf32> to vector<16xf32>
        %add3A_180 = arith.addf %scan3A_165, %get3A_179 : vector<16xf32>
        %get3A_181 = arith.index_cast %add3A_176 : i32 to index
        %get3A_182 = arith.constant 16 : index
        %get3A_183 = tpu.vector_load %arg5[%get3A_181, %get3A_182] {strides = array<i32>} : memref<64x384xf32, #tpu.memory_space<vmem>>, vector<1x16xf32>,
        %get3A_184 = vector.shape_cast %get3A_183 : vector<1x16xf32> to vector<16xf32>
        %add3A_185 = arith.addf %scan3A_166, %get3A_184 : vector<16xf32>
        %get3A_186 = arith.index_cast %add3A_176 : i32 to index
        %get3A_187 = arith.constant 32 : index
        %get3A_188 = tpu.vector_load %arg5[%get3A_186, %get3A_187] {strides = array<i32>} : memref<64x384xf32, #tpu.memory_space<vmem>>, vector<1x16xf32>,
        %get3A_189 = vector.shape_cast %get3A_188 : vector<1x16xf32> to vector<16xf32>
        %add3A_190 = arith.addf %scan3A_167, %get3A_189 : vector<16xf32>
        %get3A_191 = arith.index_cast %add3A_176 : i32 to index
        %get3A_192 = arith.constant 48 : index
        %get3A_193 = tpu.vector_load %arg5[%get3A_191, %get3A_192] {strides = array<i32>} : memref<64x384xf32, #tpu.memory_space<vmem>>, vector<1x16xf32>,
        %get3A_194 = vector.shape_cast %get3A_193 : vector<1x16xf32> to vector<16xf32>
        %add3A_195 = arith.addf %scan3A_168, %get3A_194 : vector<16xf32>
        %get3A_196 = arith.index_cast %add3A_176 : i32 to index
        %get3A_197 = arith.constant 64 : index
        %get3A_198 = tpu.vector_load %arg5[%get3A_196, %get3A_197] {strides = array<i32>} : memref<64x384xf32, #tpu.memory_space<vmem>>, vector<1x16xf32>,
        %get3A_199 = vector.shape_cast %get3A_198 : vector<1x16xf32> to vector<16xf32>
        %add3A_200 = arith.addf %scan3A_169, %get3A_199 : vector<16xf32>
        %get3A_201 = arith.index_cast %add3A_176 : i32 to index
        %get3A_202 = arith.constant 80 : index
        %get3A_203 = tpu.vector_load %arg5[%get3A_201, %get3A_202] {strides = array<i32>} : memref<64x384xf32, #tpu.memory_space<vmem>>, vector<1x16xf32>,
        %get3A_204 = vector.shape_cast %get3A_203 : vector<1x16xf32> to vector<16xf32>
        %add3A_205 = arith.addf %scan3A_170, %get3A_204 : vector<16xf32>
        %get3A_206 = arith.index_cast %add3A_176 : i32 to index
        %get3A_207 = arith.constant 96 : index
        %get3A_208 = tpu.vector_load %arg5[%get3A_206, %get3A_207] {strides = array<i32>} : memref<64x384xf32, #tpu.memory_space<vmem>>, vector<1x16xf32>,
        %get3A_209 = vector.shape_cast %get3A_208 : vector<1x16xf32> to vector<16xf32>
        %add3A_210 = arith.addf %scan3A_171, %get3A_209 : vector<16xf32>
        %get3A_211 = arith.index_cast %add3A_176 : i32 to index
        %get3A_212 = arith.constant 112 : index
        %get3A_213 = tpu.vector_load %arg5[%get3A_211, %get3A_212] {strides = array<i32>} : memref<64x384xf32, #tpu.memory_space<vmem>>, vector<1x16xf32>,
        %get3A_214 = vector.shape_cast %get3A_213 : vector<1x16xf32> to vector<16xf32>
        %add3A_215 = arith.addf %scan3A_172, %get3A_214 : vector<16xf32>
        %get3A_216 = arith.index_cast %add3A_176 : i32 to index
        %get3A_217 = arith.constant 128 : index
        %get3A_218 = tpu.vector_load %arg5[%get3A_216, %get3A_217] {strides = array<i32>} : memref<64x384xf32, #tpu.memory_space<vmem>>, vector<1x16xf32>,
        %get3A_219 = vector.shape_cast %get3A_218 : vector<1x16xf32> to vector<16xf32>
        %add3A_220 = arith.addf %add3A_180, %get3A_219 : vector<16xf32>
        %get3A_221 = arith.index_cast %add3A_176 : i32 to index
        %get3A_222 = arith.constant 144 : index
        %get3A_223 = tpu.vector_load %arg5[%get3A_221, %get3A_222] {strides = array<i32>} : memref<64x384xf32, #tpu.memory_space<vmem>>, vector<1x16xf32>,
        %get3A_224 = vector.shape_cast %get3A_223 : vector<1x16xf32> to vector<16xf32>
        %add3A_225 = arith.addf %add3A_185, %get3A_224 : vector<16xf32>
        %get3A_226 = arith.index_cast %add3A_176 : i32 to index
        %get3A_227 = arith.constant 160 : index
        %get3A_228 = tpu.vector_load %arg5[%get3A_226, %get3A_227] {strides = array<i32>} : memref<64x384xf32, #tpu.memory_space<vmem>>, vector<1x16xf32>,
        %get3A_229 = vector.shape_cast %get3A_228 : vector<1x16xf32> to vector<16xf32>
        %add3A_230 = arith.addf %add3A_190, %get3A_229 : vector<16xf32>
        %get3A_231 = arith.index_cast %add3A_176 : i32 to index
        %get3A_232 = arith.constant 176 : index
        %get3A_233 = tpu.vector_load %arg5[%get3A_231, %get3A_232] {strides = array<i32>} : memref<64x384xf32, #tpu.memory_space<vmem>>, vector<1x16xf32>,
        %get3A_234 = vector.shape_cast %get3A_233 : vector<1x16xf32> to vector<16xf32>
        %add3A_235 = arith.addf %add3A_195, %get3A_234 : vector<16xf32>
        %get3A_236 = arith.index_cast %add3A_176 : i32 to index
        %get3A_237 = arith.constant 192 : index
        %get3A_238 = tpu.vector_load %arg5[%get3A_236, %get3A_237] {strides = array<i32>} : memref<64x384xf32, #tpu.memory_space<vmem>>, vector<1x16xf32>,
        %get3A_239 = vector.shape_cast %get3A_238 : vector<1x16xf32> to vector<16xf32>
        %add3A_240 = arith.addf %add3A_200, %get3A_239 : vector<16xf32>
        %get3A_241 = arith.index_cast %add3A_176 : i32 to index
        %get3A_242 = arith.constant 208 : index
        %get3A_243 = tpu.vector_load %arg5[%get3A_241, %get3A_242] {strides = array<i32>} : memref<64x384xf32, #tpu.memory_space<vmem>>, vector<1x16xf32>,
        %get3A_244 = vector.shape_cast %get3A_243 : vector<1x16xf32> to vector<16xf32>
        %add3A_245 = arith.addf %add3A_205, %get3A_244 : vector<16xf32>
        %get3A_246 = arith.index_cast %add3A_176 : i32 to index
        %get3A_247 = arith.constant 224 : index
        %get3A_248 = tpu.vector_load %arg5[%get3A_246, %get3A_247] {strides = array<i32>} : memref<64x384xf32, #tpu.memory_space<vmem>>, vector<1x16xf32>,
        %get3A_249 = vector.shape_cast %get3A_248 : vector<1x16xf32> to vector<16xf32>
        %add3A_250 = arith.addf %add3A_210, %get3A_249 : vector<16xf32>
        %get3A_251 = arith.index_cast %add3A_176 : i32 to index
        %get3A_252 = arith.constant 240 : index
        %get3A_253 = tpu.vector_load %arg5[%get3A_251, %get3A_252] {strides = array<i32>} : memref<64x384xf32, #tpu.memory_space<vmem>>, vector<1x16xf32>,
        %get3A_254 = vector.shape_cast %get3A_253 : vector<1x16xf32> to vector<16xf32>
        %add3A_255 = arith.addf %add3A_215, %get3A_254 : vector<16xf32>
        %get3A_256 = arith.index_cast %add3A_176 : i32 to index
        %get3A_257 = arith.constant 256 : index
        %get3A_258 = tpu.vector_load %arg5[%get3A_256, %get3A_257] {strides = array<i32>} : memref<64x384xf32, #tpu.memory_space<vmem>>, vector<1x16xf32>,
        %get3A_259 = vector.shape_cast %get3A_258 : vector<1x16xf32> to vector<16xf32>
        %add3A_260 = arith.addf %add3A_220, %get3A_259 : vector<16xf32>
        %get3A_261 = arith.index_cast %add3A_176 : i32 to index
        %get3A_262 = arith.constant 272 : index
        %get3A_263 = tpu.vector_load %arg5[%get3A_261, %get3A_262] {strides = array<i32>} : memref<64x384xf32, #tpu.memory_space<vmem>>, vector<1x16xf32>,
        %get3A_264 = vector.shape_cast %get3A_263 : vector<1x16xf32> to vector<16xf32>
        %add3A_265 = arith.addf %add3A_225, %get3A_264 : vector<16xf32>
        %get3A_266 = arith.index_cast %add3A_176 : i32 to index
        %get3A_267 = arith.constant 288 : index
        %get3A_268 = tpu.vector_load %arg5[%get3A_266, %get3A_267] {strides = array<i32>} : memref<64x384xf32, #tpu.memory_space<vmem>>, vector<1x16xf32>,
        %get3A_269 = vector.shape_cast %get3A_268 : vector<1x16xf32> to vector<16xf32>
        %add3A_270 = arith.addf %add3A_230, %get3A_269 : vector<16xf32>
        %get3A_271 = arith.index_cast %add3A_176 : i32 to index
        %get3A_272 = arith.constant 304 : index
        %get3A_273 = tpu.vector_load %arg5[%get3A_271, %get3A_272] {strides = array<i32>} : memref<64x384xf32, #tpu.memory_space<vmem>>, vector<1x16xf32>,
        %get3A_274 = vector.shape_cast %get3A_273 : vector<1x16xf32> to vector<16xf32>
        %add3A_275 = arith.addf %add3A_235, %get3A_274 : vector<16xf32>
        %get3A_276 = arith.index_cast %add3A_176 : i32 to index
        %get3A_277 = arith.constant 320 : index
        %get3A_278 = tpu.vector_load %arg5[%get3A_276, %get3A_277] {strides = array<i32>} : memref<64x384xf32, #tpu.memory_space<vmem>>, vector<1x16xf32>,
        %get3A_279 = vector.shape_cast %get3A_278 : vector<1x16xf32> to vector<16xf32>
        %add3A_280 = arith.addf %add3A_240, %get3A_279 : vector<16xf32>
        %get3A_281 = arith.index_cast %add3A_176 : i32 to index
        %get3A_282 = arith.constant 336 : index
        %get3A_283 = tpu.vector_load %arg5[%get3A_281, %get3A_282] {strides = array<i32>} : memref<64x384xf32, #tpu.memory_space<vmem>>, vector<1x16xf32>,
        %get3A_284 = vector.shape_cast %get3A_283 : vector<1x16xf32> to vector<16xf32>
        %add3A_285 = arith.addf %add3A_245, %get3A_284 : vector<16xf32>
        %get3A_286 = arith.index_cast %add3A_176 : i32 to index
        %get3A_287 = arith.constant 352 : index
        %get3A_288 = tpu.vector_load %arg5[%get3A_286, %get3A_287] {strides = array<i32>} : memref<64x384xf32, #tpu.memory_space<vmem>>, vector<1x16xf32>,
        %get3A_289 = vector.shape_cast %get3A_288 : vector<1x16xf32> to vector<16xf32>
        %add3A_290 = arith.addf %add3A_250, %get3A_289 : vector<16xf32>
        %get3A_291 = arith.index_cast %add3A_176 : i32 to index
        %get3A_292 = arith.constant 368 : index
        %get3A_293 = tpu.vector_load %arg5[%get3A_291, %get3A_292] {strides = array<i32>} : memref<64x384xf32, #tpu.memory_space<vmem>>, vector<1x16xf32>,
        %get3A_294 = vector.shape_cast %get3A_293 : vector<1x16xf32> to vector<16xf32>
        %add3A_295 = arith.addf %add3A_255, %get3A_294 : vector<16xf32>
        scf.yield %add3A_260, %add3A_265, %add3A_270, %add3A_275, %add3A_280, %add3A_285, %add3A_290, %add3A_295 : vector<16xf32>, vector<16xf32>, vector<16xf32>, vector<16xf32>, vector<16xf32>, vector<16xf32>, vector<16xf32>, vector<16xf32>
      }
      %scan3A_71 = arith.constant 64 : i32
      %lt3A_72 = arith.constant 6 : i32
      %lt3A_73 = arith.cmpi slt, %add3A_36, %lt3A_72 : i32
      %convert_element_type3A_74 = arith.extui %lt3A_73 : i1 to i32
      %cond3A_75 = arith.constant 0 : i32
      %cond3A_76 = arith.cmpi ne, %convert_element_type3A_74, %cond3A_75 : i32
      scf.if %cond3A_76 {
        %add3A_164 = arith.addi %add3A_4, %add3A_36 : i32
        %dma_start3A_165 = arith.constant 256 : i32
        %dma_start3A_166 = arith.constant 0 : i32
        %dma_start3A_167 = tpu.memref_slice %arg2[%add3A_164, %dma_start3A_165, %dma_start3A_166] : memref<768x384x384xf32, #tpu.memory_space<hbm>> -> memref<1x64x384xf32, #tpu.memory_space<hbm>>
        %dma_start3A_168 = tpu.memref_squeeze %dma_start3A_167 : memref<1x64x384xf32, #tpu.memory_space<hbm>> -> memref<64x384xf32, #tpu.memory_space<hbm>>
        %dma_start3A_169 = arith.constant 256 : i32
        %dma_start3A_170 = arith.constant 0 : i32
        %dma_start3A_171 = tpu.memref_slice %arg2[%add3A_164, %dma_start3A_169, %dma_start3A_170] : memref<768x384x384xf32, #tpu.memory_space<hbm>> -> memref<1x64x384xf32, #tpu.memory_space<hbm>>
        %dma_start3A_172 = tpu.memref_squeeze %dma_start3A_171 : memref<1x64x384xf32, #tpu.memory_space<hbm>> -> memref<64x384xf32, #tpu.memory_space<hbm>>
        tpu.enqueue_dma source(%dma_start3A_172 : memref<64x384xf32, #tpu.memory_space<hbm>>) target(%arg5 : memref<64x384xf32, #tpu.memory_space<vmem>>) target_semaphore(%arg9 : memref<!tpu.dma_semaphore, #tpu.memory_space<semaphore_mem>>)
      } else {
      }
      %dma_wait3A_77 = arith.constant 0 : i32
      %dma_wait3A_78 = arith.constant 0 : i32
      %dma_wait3A_79 = tpu.memref_slice %arg2[%add3A_4, %dma_wait3A_77, %dma_wait3A_78] : memref<768x384x384xf32, #tpu.memory_space<hbm>> -> memref<1x64x384xf32, #tpu.memory_space<hbm>>
      %dma_wait3A_80 = tpu.memref_squeeze %dma_wait3A_79 : memref<1x64x384xf32, #tpu.memory_space<hbm>> -> memref<64x384xf32, #tpu.memory_space<hbm>>
      %dma_wait3A_81 = arith.constant 0 : i32
      %dma_wait3A_82 = arith.constant 0 : i32
      %dma_wait3A_83 = tpu.memref_slice %arg2[%add3A_4, %dma_wait3A_81, %dma_wait3A_82] : memref<768x384x384xf32, #tpu.memory_space<hbm>> -> memref<1x64x384xf32, #tpu.memory_space<hbm>>
      %dma_wait3A_84 = tpu.memref_squeeze %dma_wait3A_83 : memref<1x64x384xf32, #tpu.memory_space<hbm>> -> memref<64x384xf32, #tpu.memory_space<hbm>>
      tpu.wait_dma2 semaphore(%arg10 : memref<!tpu.dma_semaphore, #tpu.memory_space<semaphore_mem>>) src(%dma_wait3A_84 : memref<64x384xf32, #tpu.memory_space<hbm>>) dst(%arg6 : memref<64x384xf32, #tpu.memory_space<vmem>>)
      %scan3A_85 = arith.constant 0 : i32
      %scan3A_86 = arith.constant 64 : i32
      %scan3A_87 = arith.addi %scan3A_85, %scan3A_86 : i32
      %scan3A_88 = arith.constant 1 : i32
      %scan3A_89:8 = scf.for %scan3A_164 = %scan3A_85 to %scan3A_87 step %scan3A_88 iter_args(%scan3A_165 = %scan3A_70#0, %scan3A_166 = %scan3A_70#1, %scan3A_167 = %scan3A_70#2, %scan3A_168 = %scan3A_70#3, %scan3A_169 = %scan3A_70#4, %scan3A_170 = %scan3A_70#5, %scan3A_171 = %scan3A_70#6, %scan3A_172 = %scan3A_70#7) -> (vector<16xf32>, vector<16xf32>, vector<16xf32>, vector<16xf32>, vector<16xf32>, vector<16xf32>, vector<16xf32>, vector<16xf32>)  : i32 {
        %mul3A_173 = arith.constant 1 : i32
        %mul3A_174 = arith.muli %scan3A_164, %mul3A_173 : i32
        %add3A_175 = arith.constant 0 : i32
        %add3A_176 = arith.addi %add3A_175, %mul3A_174 : i32
        %get3A = arith.index_cast %add3A_176 : i32 to index
        %get3A_177 = arith.constant 0 : index
        %get3A_178 = tpu.vector_load %arg6[%get3A, %get3A_177] {strides = array<i32>} : memref<64x384xf32, #tpu.memory_space<vmem>>, vector<1x16xf32>,
        %get3A_179 = vector.shape_cast %get3A_178 : vector<1x16xf32> to vector<16xf32>
        %add3A_180 = arith.addf %scan3A_165, %get3A_179 : vector<16xf32>
        %get3A_181 = arith.index_cast %add3A_176 : i32 to index
        %get3A_182 = arith.constant 16 : index
        %get3A_183 = tpu.vector_load %arg6[%get3A_181, %get3A_182] {strides = array<i32>} : memref<64x384xf32, #tpu.memory_space<vmem>>, vector<1x16xf32>,
        %get3A_184 = vector.shape_cast %get3A_183 : vector<1x16xf32> to vector<16xf32>
        %add3A_185 = arith.addf %scan3A_166, %get3A_184 : vector<16xf32>
        %get3A_186 = arith.index_cast %add3A_176 : i32 to index
        %get3A_187 = arith.constant 32 : index
        %get3A_188 = tpu.vector_load %arg6[%get3A_186, %get3A_187] {strides = array<i32>} : memref<64x384xf32, #tpu.memory_space<vmem>>, vector<1x16xf32>,
        %get3A_189 = vector.shape_cast %get3A_188 : vector<1x16xf32> to vector<16xf32>
        %add3A_190 = arith.addf %scan3A_167, %get3A_189 : vector<16xf32>
        %get3A_191 = arith.index_cast %add3A_176 : i32 to index
        %get3A_192 = arith.constant 48 : index
        %get3A_193 = tpu.vector_load %arg6[%get3A_191, %get3A_192] {strides = array<i32>} : memref<64x384xf32, #tpu.memory_space<vmem>>, vector<1x16xf32>,
        %get3A_194 = vector.shape_cast %get3A_193 : vector<1x16xf32> to vector<16xf32>
        %add3A_195 = arith.addf %scan3A_168, %get3A_194 : vector<16xf32>
        %get3A_196 = arith.index_cast %add3A_176 : i32 to index
        %get3A_197 = arith.constant 64 : index
        %get3A_198 = tpu.vector_load %arg6[%get3A_196, %get3A_197] {strides = array<i32>} : memref<64x384xf32, #tpu.memory_space<vmem>>, vector<1x16xf32>,
        %get3A_199 = vector.shape_cast %get3A_198 : vector<1x16xf32> to vector<16xf32>
        %add3A_200 = arith.addf %scan3A_169, %get3A_199 : vector<16xf32>
        %get3A_201 = arith.index_cast %add3A_176 : i32 to index
        %get3A_202 = arith.constant 80 : index
        %get3A_203 = tpu.vector_load %arg6[%get3A_201, %get3A_202] {strides = array<i32>} : memref<64x384xf32, #tpu.memory_space<vmem>>, vector<1x16xf32>,
        %get3A_204 = vector.shape_cast %get3A_203 : vector<1x16xf32> to vector<16xf32>
        %add3A_205 = arith.addf %scan3A_170, %get3A_204 : vector<16xf32>
        %get3A_206 = arith.index_cast %add3A_176 : i32 to index
        %get3A_207 = arith.constant 96 : index
        %get3A_208 = tpu.vector_load %arg6[%get3A_206, %get3A_207] {strides = array<i32>} : memref<64x384xf32, #tpu.memory_space<vmem>>, vector<1x16xf32>,
        %get3A_209 = vector.shape_cast %get3A_208 : vector<1x16xf32> to vector<16xf32>
        %add3A_210 = arith.addf %scan3A_171, %get3A_209 : vector<16xf32>
        %get3A_211 = arith.index_cast %add3A_176 : i32 to index
        %get3A_212 = arith.constant 112 : index
        %get3A_213 = tpu.vector_load %arg6[%get3A_211, %get3A_212] {strides = array<i32>} : memref<64x384xf32, #tpu.memory_space<vmem>>, vector<1x16xf32>,
        %get3A_214 = vector.shape_cast %get3A_213 : vector<1x16xf32> to vector<16xf32>
        %add3A_215 = arith.addf %scan3A_172, %get3A_214 : vector<16xf32>
        %get3A_216 = arith.index_cast %add3A_176 : i32 to index
        %get3A_217 = arith.constant 128 : index
        %get3A_218 = tpu.vector_load %arg6[%get3A_216, %get3A_217] {strides = array<i32>} : memref<64x384xf32, #tpu.memory_space<vmem>>, vector<1x16xf32>,
        %get3A_219 = vector.shape_cast %get3A_218 : vector<1x16xf32> to vector<16xf32>
        %add3A_220 = arith.addf %add3A_180, %get3A_219 : vector<16xf32>
        %get3A_221 = arith.index_cast %add3A_176 : i32 to index
        %get3A_222 = arith.constant 144 : index
        %get3A_223 = tpu.vector_load %arg6[%get3A_221, %get3A_222] {strides = array<i32>} : memref<64x384xf32, #tpu.memory_space<vmem>>, vector<1x16xf32>,
        %get3A_224 = vector.shape_cast %get3A_223 : vector<1x16xf32> to vector<16xf32>
        %add3A_225 = arith.addf %add3A_185, %get3A_224 : vector<16xf32>
        %get3A_226 = arith.index_cast %add3A_176 : i32 to index
        %get3A_227 = arith.constant 160 : index
        %get3A_228 = tpu.vector_load %arg6[%get3A_226, %get3A_227] {strides = array<i32>} : memref<64x384xf32, #tpu.memory_space<vmem>>, vector<1x16xf32>,
        %get3A_229 = vector.shape_cast %get3A_228 : vector<1x16xf32> to vector<16xf32>
        %add3A_230 = arith.addf %add3A_190, %get3A_229 : vector<16xf32>
        %get3A_231 = arith.index_cast %add3A_176 : i32 to index
        %get3A_232 = arith.constant 176 : index
        %get3A_233 = tpu.vector_load %arg6[%get3A_231, %get3A_232] {strides = array<i32>} : memref<64x384xf32, #tpu.memory_space<vmem>>, vector<1x16xf32>,
        %get3A_234 = vector.shape_cast %get3A_233 : vector<1x16xf32> to vector<16xf32>
        %add3A_235 = arith.addf %add3A_195, %get3A_234 : vector<16xf32>
        %get3A_236 = arith.index_cast %add3A_176 : i32 to index
        %get3A_237 = arith.constant 192 : index
        %get3A_238 = tpu.vector_load %arg6[%get3A_236, %get3A_237] {strides = array<i32>} : memref<64x384xf32, #tpu.memory_space<vmem>>, vector<1x16xf32>,
        %get3A_239 = vector.shape_cast %get3A_238 : vector<1x16xf32> to vector<16xf32>
        %add3A_240 = arith.addf %add3A_200, %get3A_239 : vector<16xf32>
        %get3A_241 = arith.index_cast %add3A_176 : i32 to index
        %get3A_242 = arith.constant 208 : index
        %get3A_243 = tpu.vector_load %arg6[%get3A_241, %get3A_242] {strides = array<i32>} : memref<64x384xf32, #tpu.memory_space<vmem>>, vector<1x16xf32>,
        %get3A_244 = vector.shape_cast %get3A_243 : vector<1x16xf32> to vector<16xf32>
        %add3A_245 = arith.addf %add3A_205, %get3A_244 : vector<16xf32>
        %get3A_246 = arith.index_cast %add3A_176 : i32 to index
        %get3A_247 = arith.constant 224 : index
        %get3A_248 = tpu.vector_load %arg6[%get3A_246, %get3A_247] {strides = array<i32>} : memref<64x384xf32, #tpu.memory_space<vmem>>, vector<1x16xf32>,
        %get3A_249 = vector.shape_cast %get3A_248 : vector<1x16xf32> to vector<16xf32>
        %add3A_250 = arith.addf %add3A_210, %get3A_249 : vector<16xf32>
        %get3A_251 = arith.index_cast %add3A_176 : i32 to index
        %get3A_252 = arith.constant 240 : index
        %get3A_253 = tpu.vector_load %arg6[%get3A_251, %get3A_252] {strides = array<i32>} : memref<64x384xf32, #tpu.memory_space<vmem>>, vector<1x16xf32>,
        %get3A_254 = vector.shape_cast %get3A_253 : vector<1x16xf32> to vector<16xf32>
        %add3A_255 = arith.addf %add3A_215, %get3A_254 : vector<16xf32>
        %get3A_256 = arith.index_cast %add3A_176 : i32 to index
        %get3A_257 = arith.constant 256 : index
        %get3A_258 = tpu.vector_load %arg6[%get3A_256, %get3A_257] {strides = array<i32>} : memref<64x384xf32, #tpu.memory_space<vmem>>, vector<1x16xf32>,
        %get3A_259 = vector.shape_cast %get3A_258 : vector<1x16xf32> to vector<16xf32>
        %add3A_260 = arith.addf %add3A_220, %get3A_259 : vector<16xf32>
        %get3A_261 = arith.index_cast %add3A_176 : i32 to index
        %get3A_262 = arith.constant 272 : index
        %get3A_263 = tpu.vector_load %arg6[%get3A_261, %get3A_262] {strides = array<i32>} : memref<64x384xf32, #tpu.memory_space<vmem>>, vector<1x16xf32>,
        %get3A_264 = vector.shape_cast %get3A_263 : vector<1x16xf32> to vector<16xf32>
        %add3A_265 = arith.addf %add3A_225, %get3A_264 : vector<16xf32>
        %get3A_266 = arith.index_cast %add3A_176 : i32 to index
        %get3A_267 = arith.constant 288 : index
        %get3A_268 = tpu.vector_load %arg6[%get3A_266, %get3A_267] {strides = array<i32>} : memref<64x384xf32, #tpu.memory_space<vmem>>, vector<1x16xf32>,
        %get3A_269 = vector.shape_cast %get3A_268 : vector<1x16xf32> to vector<16xf32>
        %add3A_270 = arith.addf %add3A_230, %get3A_269 : vector<16xf32>
        %get3A_271 = arith.index_cast %add3A_176 : i32 to index
        %get3A_272 = arith.constant 304 : index
        %get3A_273 = tpu.vector_load %arg6[%get3A_271, %get3A_272] {strides = array<i32>} : memref<64x384xf32, #tpu.memory_space<vmem>>, vector<1x16xf32>,
        %get3A_274 = vector.shape_cast %get3A_273 : vector<1x16xf32> to vector<16xf32>
        %add3A_275 = arith.addf %add3A_235, %get3A_274 : vector<16xf32>
        %get3A_276 = arith.index_cast %add3A_176 : i32 to index
        %get3A_277 = arith.constant 320 : index
        %get3A_278 = tpu.vector_load %arg6[%get3A_276, %get3A_277] {strides = array<i32>} : memref<64x384xf32, #tpu.memory_space<vmem>>, vector<1x16xf32>,
        %get3A_279 = vector.shape_cast %get3A_278 : vector<1x16xf32> to vector<16xf32>
        %add3A_280 = arith.addf %add3A_240, %get3A_279 : vector<16xf32>
        %get3A_281 = arith.index_cast %add3A_176 : i32 to index
        %get3A_282 = arith.constant 336 : index
        %get3A_283 = tpu.vector_load %arg6[%get3A_281, %get3A_282] {strides = array<i32>} : memref<64x384xf32, #tpu.memory_space<vmem>>, vector<1x16xf32>,
        %get3A_284 = vector.shape_cast %get3A_283 : vector<1x16xf32> to vector<16xf32>
        %add3A_285 = arith.addf %add3A_245, %get3A_284 : vector<16xf32>
        %get3A_286 = arith.index_cast %add3A_176 : i32 to index
        %get3A_287 = arith.constant 352 : index
        %get3A_288 = tpu.vector_load %arg6[%get3A_286, %get3A_287] {strides = array<i32>} : memref<64x384xf32, #tpu.memory_space<vmem>>, vector<1x16xf32>,
        %get3A_289 = vector.shape_cast %get3A_288 : vector<1x16xf32> to vector<16xf32>
        %add3A_290 = arith.addf %add3A_250, %get3A_289 : vector<16xf32>
        %get3A_291 = arith.index_cast %add3A_176 : i32 to index
        %get3A_292 = arith.constant 368 : index
        %get3A_293 = tpu.vector_load %arg6[%get3A_291, %get3A_292] {strides = array<i32>} : memref<64x384xf32, #tpu.memory_space<vmem>>, vector<1x16xf32>,
        %get3A_294 = vector.shape_cast %get3A_293 : vector<1x16xf32> to vector<16xf32>
        %add3A_295 = arith.addf %add3A_255, %get3A_294 : vector<16xf32>
        scf.yield %add3A_260, %add3A_265, %add3A_270, %add3A_275, %add3A_280, %add3A_285, %add3A_290, %add3A_295 : vector<16xf32>, vector<16xf32>, vector<16xf32>, vector<16xf32>, vector<16xf32>, vector<16xf32>, vector<16xf32>, vector<16xf32>
      }
      %scan3A_90 = arith.constant 64 : i32
      %lt3A_91 = arith.constant 6 : i32
      %lt3A_92 = arith.cmpi slt, %add3A_36, %lt3A_91 : i32
      %convert_element_type3A_93 = arith.extui %lt3A_92 : i1 to i32
      %cond3A_94 = arith.constant 0 : i32
      %cond3A_95 = arith.cmpi ne, %convert_element_type3A_93, %cond3A_94 : i32
      scf.if %cond3A_95 {
        %add3A_164 = arith.addi %add3A_4, %add3A_36 : i32
        %dma_start3A_165 = arith.constant 320 : i32
        %dma_start3A_166 = arith.constant 0 : i32
        %dma_start3A_167 = tpu.memref_slice %arg2[%add3A_164, %dma_start3A_165, %dma_start3A_166] : memref<768x384x384xf32, #tpu.memory_space<hbm>> -> memref<1x64x384xf32, #tpu.memory_space<hbm>>
        %dma_start3A_168 = tpu.memref_squeeze %dma_start3A_167 : memref<1x64x384xf32, #tpu.memory_space<hbm>> -> memref<64x384xf32, #tpu.memory_space<hbm>>
        %dma_start3A_169 = arith.constant 320 : i32
        %dma_start3A_170 = arith.constant 0 : i32
        %dma_start3A_171 = tpu.memref_slice %arg2[%add3A_164, %dma_start3A_169, %dma_start3A_170] : memref<768x384x384xf32, #tpu.memory_space<hbm>> -> memref<1x64x384xf32, #tpu.memory_space<hbm>>
        %dma_start3A_172 = tpu.memref_squeeze %dma_start3A_171 : memref<1x64x384xf32, #tpu.memory_space<hbm>> -> memref<64x384xf32, #tpu.memory_space<hbm>>
        tpu.enqueue_dma source(%dma_start3A_172 : memref<64x384xf32, #tpu.memory_space<hbm>>) target(%arg6 : memref<64x384xf32, #tpu.memory_space<vmem>>) target_semaphore(%arg10 : memref<!tpu.dma_semaphore, #tpu.memory_space<semaphore_mem>>)
      } else {
      }
      %dma_wait3A_96 = arith.constant 0 : i32
      %dma_wait3A_97 = arith.constant 0 : i32
      %dma_wait3A_98 = tpu.memref_slice %arg2[%add3A_4, %dma_wait3A_96, %dma_wait3A_97] : memref<768x384x384xf32, #tpu.memory_space<hbm>> -> memref<1x64x384xf32, #tpu.memory_space<hbm>>
      %dma_wait3A_99 = tpu.memref_squeeze %dma_wait3A_98 : memref<1x64x384xf32, #tpu.memory_space<hbm>> -> memref<64x384xf32, #tpu.memory_space<hbm>>
      %dma_wait3A_100 = arith.constant 0 : i32
      %dma_wait3A_101 = arith.constant 0 : i32
      %dma_wait3A_102 = tpu.memref_slice %arg2[%add3A_4, %dma_wait3A_100, %dma_wait3A_101] : memref<768x384x384xf32, #tpu.memory_space<hbm>> -> memref<1x64x384xf32, #tpu.memory_space<hbm>>
      %dma_wait3A_103 = tpu.memref_squeeze %dma_wait3A_102 : memref<1x64x384xf32, #tpu.memory_space<hbm>> -> memref<64x384xf32, #tpu.memory_space<hbm>>
      tpu.wait_dma2 semaphore(%arg8 : memref<!tpu.dma_semaphore, #tpu.memory_space<semaphore_mem>>) src(%dma_wait3A_103 : memref<64x384xf32, #tpu.memory_space<hbm>>) dst(%arg4 : memref<64x384xf32, #tpu.memory_space<vmem>>)
      %scan3A_104 = arith.constant 0 : i32
      %scan3A_105 = arith.constant 64 : i32
      %scan3A_106 = arith.addi %scan3A_104, %scan3A_105 : i32
      %scan3A_107 = arith.constant 1 : i32
      %scan3A_108:8 = scf.for %scan3A_164 = %scan3A_104 to %scan3A_106 step %scan3A_107 iter_args(%scan3A_165 = %scan3A_89#0, %scan3A_166 = %scan3A_89#1, %scan3A_167 = %scan3A_89#2, %scan3A_168 = %scan3A_89#3, %scan3A_169 = %scan3A_89#4, %scan3A_170 = %scan3A_89#5, %scan3A_171 = %scan3A_89#6, %scan3A_172 = %scan3A_89#7) -> (vector<16xf32>, vector<16xf32>, vector<16xf32>, vector<16xf32>, vector<16xf32>, vector<16xf32>, vector<16xf32>, vector<16xf32>)  : i32 {
        %mul3A_173 = arith.constant 1 : i32
        %mul3A_174 = arith.muli %scan3A_164, %mul3A_173 : i32
        %add3A_175 = arith.constant 0 : i32
        %add3A_176 = arith.addi %add3A_175, %mul3A_174 : i32
        %get3A = arith.index_cast %add3A_176 : i32 to index
        %get3A_177 = arith.constant 0 : index
        %get3A_178 = tpu.vector_load %arg4[%get3A, %get3A_177] {strides = array<i32>} : memref<64x384xf32, #tpu.memory_space<vmem>>, vector<1x16xf32>,
        %get3A_179 = vector.shape_cast %get3A_178 : vector<1x16xf32> to vector<16xf32>
        %add3A_180 = arith.addf %scan3A_165, %get3A_179 : vector<16xf32>
        %get3A_181 = arith.index_cast %add3A_176 : i32 to index
        %get3A_182 = arith.constant 16 : index
        %get3A_183 = tpu.vector_load %arg4[%get3A_181, %get3A_182] {strides = array<i32>} : memref<64x384xf32, #tpu.memory_space<vmem>>, vector<1x16xf32>,
        %get3A_184 = vector.shape_cast %get3A_183 : vector<1x16xf32> to vector<16xf32>
        %add3A_185 = arith.addf %scan3A_166, %get3A_184 : vector<16xf32>
        %get3A_186 = arith.index_cast %add3A_176 : i32 to index
        %get3A_187 = arith.constant 32 : index
        %get3A_188 = tpu.vector_load %arg4[%get3A_186, %get3A_187] {strides = array<i32>} : memref<64x384xf32, #tpu.memory_space<vmem>>, vector<1x16xf32>,
        %get3A_189 = vector.shape_cast %get3A_188 : vector<1x16xf32> to vector<16xf32>
        %add3A_190 = arith.addf %scan3A_167, %get3A_189 : vector<16xf32>
        %get3A_191 = arith.index_cast %add3A_176 : i32 to index
        %get3A_192 = arith.constant 48 : index
        %get3A_193 = tpu.vector_load %arg4[%get3A_191, %get3A_192] {strides = array<i32>} : memref<64x384xf32, #tpu.memory_space<vmem>>, vector<1x16xf32>,
        %get3A_194 = vector.shape_cast %get3A_193 : vector<1x16xf32> to vector<16xf32>
        %add3A_195 = arith.addf %scan3A_168, %get3A_194 : vector<16xf32>
        %get3A_196 = arith.index_cast %add3A_176 : i32 to index
        %get3A_197 = arith.constant 64 : index
        %get3A_198 = tpu.vector_load %arg4[%get3A_196, %get3A_197] {strides = array<i32>} : memref<64x384xf32, #tpu.memory_space<vmem>>, vector<1x16xf32>,
        %get3A_199 = vector.shape_cast %get3A_198 : vector<1x16xf32> to vector<16xf32>
        %add3A_200 = arith.addf %scan3A_169, %get3A_199 : vector<16xf32>
        %get3A_201 = arith.index_cast %add3A_176 : i32 to index
        %get3A_202 = arith.constant 80 : index
        %get3A_203 = tpu.vector_load %arg4[%get3A_201, %get3A_202] {strides = array<i32>} : memref<64x384xf32, #tpu.memory_space<vmem>>, vector<1x16xf32>,
        %get3A_204 = vector.shape_cast %get3A_203 : vector<1x16xf32> to vector<16xf32>
        %add3A_205 = arith.addf %scan3A_170, %get3A_204 : vector<16xf32>
        %get3A_206 = arith.index_cast %add3A_176 : i32 to index
        %get3A_207 = arith.constant 96 : index
        %get3A_208 = tpu.vector_load %arg4[%get3A_206, %get3A_207] {strides = array<i32>} : memref<64x384xf32, #tpu.memory_space<vmem>>, vector<1x16xf32>,
        %get3A_209 = vector.shape_cast %get3A_208 : vector<1x16xf32> to vector<16xf32>
        %add3A_210 = arith.addf %scan3A_171, %get3A_209 : vector<16xf32>
        %get3A_211 = arith.index_cast %add3A_176 : i32 to index
        %get3A_212 = arith.constant 112 : index
        %get3A_213 = tpu.vector_load %arg4[%get3A_211, %get3A_212] {strides = array<i32>} : memref<64x384xf32, #tpu.memory_space<vmem>>, vector<1x16xf32>,
        %get3A_214 = vector.shape_cast %get3A_213 : vector<1x16xf32> to vector<16xf32>
        %add3A_215 = arith.addf %scan3A_172, %get3A_214 : vector<16xf32>
        %get3A_216 = arith.index_cast %add3A_176 : i32 to index
        %get3A_217 = arith.constant 128 : index
        %get3A_218 = tpu.vector_load %arg4[%get3A_216, %get3A_217] {strides = array<i32>} : memref<64x384xf32, #tpu.memory_space<vmem>>, vector<1x16xf32>,
        %get3A_219 = vector.shape_cast %get3A_218 : vector<1x16xf32> to vector<16xf32>
        %add3A_220 = arith.addf %add3A_180, %get3A_219 : vector<16xf32>
        %get3A_221 = arith.index_cast %add3A_176 : i32 to index
        %get3A_222 = arith.constant 144 : index
        %get3A_223 = tpu.vector_load %arg4[%get3A_221, %get3A_222] {strides = array<i32>} : memref<64x384xf32, #tpu.memory_space<vmem>>, vector<1x16xf32>,
        %get3A_224 = vector.shape_cast %get3A_223 : vector<1x16xf32> to vector<16xf32>
        %add3A_225 = arith.addf %add3A_185, %get3A_224 : vector<16xf32>
        %get3A_226 = arith.index_cast %add3A_176 : i32 to index
        %get3A_227 = arith.constant 160 : index
        %get3A_228 = tpu.vector_load %arg4[%get3A_226, %get3A_227] {strides = array<i32>} : memref<64x384xf32, #tpu.memory_space<vmem>>, vector<1x16xf32>,
        %get3A_229 = vector.shape_cast %get3A_228 : vector<1x16xf32> to vector<16xf32>
        %add3A_230 = arith.addf %add3A_190, %get3A_229 : vector<16xf32>
        %get3A_231 = arith.index_cast %add3A_176 : i32 to index
        %get3A_232 = arith.constant 176 : index
        %get3A_233 = tpu.vector_load %arg4[%get3A_231, %get3A_232] {strides = array<i32>} : memref<64x384xf32, #tpu.memory_space<vmem>>, vector<1x16xf32>,
        %get3A_234 = vector.shape_cast %get3A_233 : vector<1x16xf32> to vector<16xf32>
        %add3A_235 = arith.addf %add3A_195, %get3A_234 : vector<16xf32>
        %get3A_236 = arith.index_cast %add3A_176 : i32 to index
        %get3A_237 = arith.constant 192 : index
        %get3A_238 = tpu.vector_load %arg4[%get3A_236, %get3A_237] {strides = array<i32>} : memref<64x384xf32, #tpu.memory_space<vmem>>, vector<1x16xf32>,
        %get3A_239 = vector.shape_cast %get3A_238 : vector<1x16xf32> to vector<16xf32>
        %add3A_240 = arith.addf %add3A_200, %get3A_239 : vector<16xf32>
        %get3A_241 = arith.index_cast %add3A_176 : i32 to index
        %get3A_242 = arith.constant 208 : index
        %get3A_243 = tpu.vector_load %arg4[%get3A_241, %get3A_242] {strides = array<i32>} : memref<64x384xf32, #tpu.memory_space<vmem>>, vector<1x16xf32>,
        %get3A_244 = vector.shape_cast %get3A_243 : vector<1x16xf32> to vector<16xf32>
        %add3A_245 = arith.addf %add3A_205, %get3A_244 : vector<16xf32>
        %get3A_246 = arith.index_cast %add3A_176 : i32 to index
        %get3A_247 = arith.constant 224 : index
        %get3A_248 = tpu.vector_load %arg4[%get3A_246, %get3A_247] {strides = array<i32>} : memref<64x384xf32, #tpu.memory_space<vmem>>, vector<1x16xf32>,
        %get3A_249 = vector.shape_cast %get3A_248 : vector<1x16xf32> to vector<16xf32>
        %add3A_250 = arith.addf %add3A_210, %get3A_249 : vector<16xf32>
        %get3A_251 = arith.index_cast %add3A_176 : i32 to index
        %get3A_252 = arith.constant 240 : index
        %get3A_253 = tpu.vector_load %arg4[%get3A_251, %get3A_252] {strides = array<i32>} : memref<64x384xf32, #tpu.memory_space<vmem>>, vector<1x16xf32>,
        %get3A_254 = vector.shape_cast %get3A_253 : vector<1x16xf32> to vector<16xf32>
        %add3A_255 = arith.addf %add3A_215, %get3A_254 : vector<16xf32>
        %get3A_256 = arith.index_cast %add3A_176 : i32 to index
        %get3A_257 = arith.constant 256 : index
        %get3A_258 = tpu.vector_load %arg4[%get3A_256, %get3A_257] {strides = array<i32>} : memref<64x384xf32, #tpu.memory_space<vmem>>, vector<1x16xf32>,
        %get3A_259 = vector.shape_cast %get3A_258 : vector<1x16xf32> to vector<16xf32>
        %add3A_260 = arith.addf %add3A_220, %get3A_259 : vector<16xf32>
        %get3A_261 = arith.index_cast %add3A_176 : i32 to index
        %get3A_262 = arith.constant 272 : index
        %get3A_263 = tpu.vector_load %arg4[%get3A_261, %get3A_262] {strides = array<i32>} : memref<64x384xf32, #tpu.memory_space<vmem>>, vector<1x16xf32>,
        %get3A_264 = vector.shape_cast %get3A_263 : vector<1x16xf32> to vector<16xf32>
        %add3A_265 = arith.addf %add3A_225, %get3A_264 : vector<16xf32>
        %get3A_266 = arith.index_cast %add3A_176 : i32 to index
        %get3A_267 = arith.constant 288 : index
        %get3A_268 = tpu.vector_load %arg4[%get3A_266, %get3A_267] {strides = array<i32>} : memref<64x384xf32, #tpu.memory_space<vmem>>, vector<1x16xf32>,
        %get3A_269 = vector.shape_cast %get3A_268 : vector<1x16xf32> to vector<16xf32>
        %add3A_270 = arith.addf %add3A_230, %get3A_269 : vector<16xf32>
        %get3A_271 = arith.index_cast %add3A_176 : i32 to index
        %get3A_272 = arith.constant 304 : index
        %get3A_273 = tpu.vector_load %arg4[%get3A_271, %get3A_272] {strides = array<i32>} : memref<64x384xf32, #tpu.memory_space<vmem>>, vector<1x16xf32>,
        %get3A_274 = vector.shape_cast %get3A_273 : vector<1x16xf32> to vector<16xf32>
        %add3A_275 = arith.addf %add3A_235, %get3A_274 : vector<16xf32>
        %get3A_276 = arith.index_cast %add3A_176 : i32 to index
        %get3A_277 = arith.constant 320 : index
        %get3A_278 = tpu.vector_load %arg4[%get3A_276, %get3A_277] {strides = array<i32>} : memref<64x384xf32, #tpu.memory_space<vmem>>, vector<1x16xf32>,
        %get3A_279 = vector.shape_cast %get3A_278 : vector<1x16xf32> to vector<16xf32>
        %add3A_280 = arith.addf %add3A_240, %get3A_279 : vector<16xf32>
        %get3A_281 = arith.index_cast %add3A_176 : i32 to index
        %get3A_282 = arith.constant 336 : index
        %get3A_283 = tpu.vector_load %arg4[%get3A_281, %get3A_282] {strides = array<i32>} : memref<64x384xf32, #tpu.memory_space<vmem>>, vector<1x16xf32>,
        %get3A_284 = vector.shape_cast %get3A_283 : vector<1x16xf32> to vector<16xf32>
        %add3A_285 = arith.addf %add3A_245, %get3A_284 : vector<16xf32>
        %get3A_286 = arith.index_cast %add3A_176 : i32 to index
        %get3A_287 = arith.constant 352 : index
        %get3A_288 = tpu.vector_load %arg4[%get3A_286, %get3A_287] {strides = array<i32>} : memref<64x384xf32, #tpu.memory_space<vmem>>, vector<1x16xf32>,
        %get3A_289 = vector.shape_cast %get3A_288 : vector<1x16xf32> to vector<16xf32>
        %add3A_290 = arith.addf %add3A_250, %get3A_289 : vector<16xf32>
        %get3A_291 = arith.index_cast %add3A_176 : i32 to index
        %get3A_292 = arith.constant 368 : index
        %get3A_293 = tpu.vector_load %arg4[%get3A_291, %get3A_292] {strides = array<i32>} : memref<64x384xf32, #tpu.memory_space<vmem>>, vector<1x16xf32>,
        %get3A_294 = vector.shape_cast %get3A_293 : vector<1x16xf32> to vector<16xf32>
        %add3A_295 = arith.addf %add3A_255, %get3A_294 : vector<16xf32>
        scf.yield %add3A_260, %add3A_265, %add3A_270, %add3A_275, %add3A_280, %add3A_285, %add3A_290, %add3A_295 : vector<16xf32>, vector<16xf32>, vector<16xf32>, vector<16xf32>, vector<16xf32>, vector<16xf32>, vector<16xf32>, vector<16xf32>
      }
      %scan3A_109 = arith.constant 64 : i32
      %add3A_110 = arith.constant 1 : i32
      %add3A_111 = arith.addi %add3A_36, %add3A_110 : i32
      %lt3A_112 = arith.constant 6 : i32
      %lt3A_113 = arith.cmpi slt, %add3A_111, %lt3A_112 : i32
      %convert_element_type3A_114 = arith.extui %lt3A_113 : i1 to i32
      %cond3A_115 = arith.constant 0 : i32
      %cond3A_116 = arith.cmpi ne, %convert_element_type3A_114, %cond3A_115 : i32
      scf.if %cond3A_116 {
        %add3A_164 = arith.constant 1 : i32
        %add3A_165 = arith.addi %add3A_36, %add3A_164 : i32
        %add3A_166 = arith.addi %add3A_4, %add3A_165 : i32
        %dma_start3A_167 = arith.constant 0 : i32
        %dma_start3A_168 = arith.constant 0 : i32
        %dma_start3A_169 = tpu.memref_slice %arg2[%add3A_166, %dma_start3A_167, %dma_start3A_168] : memref<768x384x384xf32, #tpu.memory_space<hbm>> -> memref<1x64x384xf32, #tpu.memory_space<hbm>>
        %dma_start3A_170 = tpu.memref_squeeze %dma_start3A_169 : memref<1x64x384xf32, #tpu.memory_space<hbm>> -> memref<64x384xf32, #tpu.memory_space<hbm>>
        %dma_start3A_171 = arith.constant 0 : i32
        %dma_start3A_172 = arith.constant 0 : i32
        %dma_start3A_173 = tpu.memref_slice %arg2[%add3A_166, %dma_start3A_171, %dma_start3A_172] : memref<768x384x384xf32, #tpu.memory_space<hbm>> -> memref<1x64x384xf32, #tpu.memory_space<hbm>>
        %dma_start3A_174 = tpu.memref_squeeze %dma_start3A_173 : memref<1x64x384xf32, #tpu.memory_space<hbm>> -> memref<64x384xf32, #tpu.memory_space<hbm>>
        tpu.enqueue_dma source(%dma_start3A_174 : memref<64x384xf32, #tpu.memory_space<hbm>>) target(%arg4 : memref<64x384xf32, #tpu.memory_space<vmem>>) target_semaphore(%arg8 : memref<!tpu.dma_semaphore, #tpu.memory_space<semaphore_mem>>)
      } else {
      }
      %dma_wait3A_117 = arith.constant 0 : i32
      %dma_wait3A_118 = arith.constant 0 : i32
      %dma_wait3A_119 = tpu.memref_slice %arg2[%add3A_4, %dma_wait3A_117, %dma_wait3A_118] : memref<768x384x384xf32, #tpu.memory_space<hbm>> -> memref<1x64x384xf32, #tpu.memory_space<hbm>>
      %dma_wait3A_120 = tpu.memref_squeeze %dma_wait3A_119 : memref<1x64x384xf32, #tpu.memory_space<hbm>> -> memref<64x384xf32, #tpu.memory_space<hbm>>
      %dma_wait3A_121 = arith.constant 0 : i32
      %dma_wait3A_122 = arith.constant 0 : i32
      %dma_wait3A_123 = tpu.memref_slice %arg2[%add3A_4, %dma_wait3A_121, %dma_wait3A_122] : memref<768x384x384xf32, #tpu.memory_space<hbm>> -> memref<1x64x384xf32, #tpu.memory_space<hbm>>
      %dma_wait3A_124 = tpu.memref_squeeze %dma_wait3A_123 : memref<1x64x384xf32, #tpu.memory_space<hbm>> -> memref<64x384xf32, #tpu.memory_space<hbm>>
      tpu.wait_dma2 semaphore(%arg9 : memref<!tpu.dma_semaphore, #tpu.memory_space<semaphore_mem>>) src(%dma_wait3A_124 : memref<64x384xf32, #tpu.memory_space<hbm>>) dst(%arg5 : memref<64x384xf32, #tpu.memory_space<vmem>>)
      %scan3A_125 = arith.constant 0 : i32
      %scan3A_126 = arith.constant 64 : i32
      %scan3A_127 = arith.addi %scan3A_125, %scan3A_126 : i32
      %scan3A_128 = arith.constant 1 : i32
      %scan3A_129:8 = scf.for %scan3A_164 = %scan3A_125 to %scan3A_127 step %scan3A_128 iter_args(%scan3A_165 = %scan3A_108#0, %scan3A_166 = %scan3A_108#1, %scan3A_167 = %scan3A_108#2, %scan3A_168 = %scan3A_108#3, %scan3A_169 = %scan3A_108#4, %scan3A_170 = %scan3A_108#5, %scan3A_171 = %scan3A_108#6, %scan3A_172 = %scan3A_108#7) -> (vector<16xf32>, vector<16xf32>, vector<16xf32>, vector<16xf32>, vector<16xf32>, vector<16xf32>, vector<16xf32>, vector<16xf32>)  : i32 {
        %mul3A_173 = arith.constant 1 : i32
        %mul3A_174 = arith.muli %scan3A_164, %mul3A_173 : i32
        %add3A_175 = arith.constant 0 : i32
        %add3A_176 = arith.addi %add3A_175, %mul3A_174 : i32
        %get3A = arith.index_cast %add3A_176 : i32 to index
        %get3A_177 = arith.constant 0 : index
        %get3A_178 = tpu.vector_load %arg5[%get3A, %get3A_177] {strides = array<i32>} : memref<64x384xf32, #tpu.memory_space<vmem>>, vector<1x16xf32>,
        %get3A_179 = vector.shape_cast %get3A_178 : vector<1x16xf32> to vector<16xf32>
        %add3A_180 = arith.addf %scan3A_165, %get3A_179 : vector<16xf32>
        %get3A_181 = arith.index_cast %add3A_176 : i32 to index
        %get3A_182 = arith.constant 16 : index
        %get3A_183 = tpu.vector_load %arg5[%get3A_181, %get3A_182] {strides = array<i32>} : memref<64x384xf32, #tpu.memory_space<vmem>>, vector<1x16xf32>,
        %get3A_184 = vector.shape_cast %get3A_183 : vector<1x16xf32> to vector<16xf32>
        %add3A_185 = arith.addf %scan3A_166, %get3A_184 : vector<16xf32>
        %get3A_186 = arith.index_cast %add3A_176 : i32 to index
        %get3A_187 = arith.constant 32 : index
        %get3A_188 = tpu.vector_load %arg5[%get3A_186, %get3A_187] {strides = array<i32>} : memref<64x384xf32, #tpu.memory_space<vmem>>, vector<1x16xf32>,
        %get3A_189 = vector.shape_cast %get3A_188 : vector<1x16xf32> to vector<16xf32>
        %add3A_190 = arith.addf %scan3A_167, %get3A_189 : vector<16xf32>
        %get3A_191 = arith.index_cast %add3A_176 : i32 to index
        %get3A_192 = arith.constant 48 : index
        %get3A_193 = tpu.vector_load %arg5[%get3A_191, %get3A_192] {strides = array<i32>} : memref<64x384xf32, #tpu.memory_space<vmem>>, vector<1x16xf32>,
        %get3A_194 = vector.shape_cast %get3A_193 : vector<1x16xf32> to vector<16xf32>
        %add3A_195 = arith.addf %scan3A_168, %get3A_194 : vector<16xf32>
        %get3A_196 = arith.index_cast %add3A_176 : i32 to index
        %get3A_197 = arith.constant 64 : index
        %get3A_198 = tpu.vector_load %arg5[%get3A_196, %get3A_197] {strides = array<i32>} : memref<64x384xf32, #tpu.memory_space<vmem>>, vector<1x16xf32>,
        %get3A_199 = vector.shape_cast %get3A_198 : vector<1x16xf32> to vector<16xf32>
        %add3A_200 = arith.addf %scan3A_169, %get3A_199 : vector<16xf32>
        %get3A_201 = arith.index_cast %add3A_176 : i32 to index
        %get3A_202 = arith.constant 80 : index
        %get3A_203 = tpu.vector_load %arg5[%get3A_201, %get3A_202] {strides = array<i32>} : memref<64x384xf32, #tpu.memory_space<vmem>>, vector<1x16xf32>,
        %get3A_204 = vector.shape_cast %get3A_203 : vector<1x16xf32> to vector<16xf32>
        %add3A_205 = arith.addf %scan3A_170, %get3A_204 : vector<16xf32>
        %get3A_206 = arith.index_cast %add3A_176 : i32 to index
        %get3A_207 = arith.constant 96 : index
        %get3A_208 = tpu.vector_load %arg5[%get3A_206, %get3A_207] {strides = array<i32>} : memref<64x384xf32, #tpu.memory_space<vmem>>, vector<1x16xf32>,
        %get3A_209 = vector.shape_cast %get3A_208 : vector<1x16xf32> to vector<16xf32>
        %add3A_210 = arith.addf %scan3A_171, %get3A_209 : vector<16xf32>
        %get3A_211 = arith.index_cast %add3A_176 : i32 to index
        %get3A_212 = arith.constant 112 : index
        %get3A_213 = tpu.vector_load %arg5[%get3A_211, %get3A_212] {strides = array<i32>} : memref<64x384xf32, #tpu.memory_space<vmem>>, vector<1x16xf32>,
        %get3A_214 = vector.shape_cast %get3A_213 : vector<1x16xf32> to vector<16xf32>
        %add3A_215 = arith.addf %scan3A_172, %get3A_214 : vector<16xf32>
        %get3A_216 = arith.index_cast %add3A_176 : i32 to index
        %get3A_217 = arith.constant 128 : index
        %get3A_218 = tpu.vector_load %arg5[%get3A_216, %get3A_217] {strides = array<i32>} : memref<64x384xf32, #tpu.memory_space<vmem>>, vector<1x16xf32>,
        %get3A_219 = vector.shape_cast %get3A_218 : vector<1x16xf32> to vector<16xf32>
        %add3A_220 = arith.addf %add3A_180, %get3A_219 : vector<16xf32>
        %get3A_221 = arith.index_cast %add3A_176 : i32 to index
        %get3A_222 = arith.constant 144 : index
        %get3A_223 = tpu.vector_load %arg5[%get3A_221, %get3A_222] {strides = array<i32>} : memref<64x384xf32, #tpu.memory_space<vmem>>, vector<1x16xf32>,
        %get3A_224 = vector.shape_cast %get3A_223 : vector<1x16xf32> to vector<16xf32>
        %add3A_225 = arith.addf %add3A_185, %get3A_224 : vector<16xf32>
        %get3A_226 = arith.index_cast %add3A_176 : i32 to index
        %get3A_227 = arith.constant 160 : index
        %get3A_228 = tpu.vector_load %arg5[%get3A_226, %get3A_227] {strides = array<i32>} : memref<64x384xf32, #tpu.memory_space<vmem>>, vector<1x16xf32>,
        %get3A_229 = vector.shape_cast %get3A_228 : vector<1x16xf32> to vector<16xf32>
        %add3A_230 = arith.addf %add3A_190, %get3A_229 : vector<16xf32>
        %get3A_231 = arith.index_cast %add3A_176 : i32 to index
        %get3A_232 = arith.constant 176 : index
        %get3A_233 = tpu.vector_load %arg5[%get3A_231, %get3A_232] {strides = array<i32>} : memref<64x384xf32, #tpu.memory_space<vmem>>, vector<1x16xf32>,
        %get3A_234 = vector.shape_cast %get3A_233 : vector<1x16xf32> to vector<16xf32>
        %add3A_235 = arith.addf %add3A_195, %get3A_234 : vector<16xf32>
        %get3A_236 = arith.index_cast %add3A_176 : i32 to index
        %get3A_237 = arith.constant 192 : index
        %get3A_238 = tpu.vector_load %arg5[%get3A_236, %get3A_237] {strides = array<i32>} : memref<64x384xf32, #tpu.memory_space<vmem>>, vector<1x16xf32>,
        %get3A_239 = vector.shape_cast %get3A_238 : vector<1x16xf32> to vector<16xf32>
        %add3A_240 = arith.addf %add3A_200, %get3A_239 : vector<16xf32>
        %get3A_241 = arith.index_cast %add3A_176 : i32 to index
        %get3A_242 = arith.constant 208 : index
        %get3A_243 = tpu.vector_load %arg5[%get3A_241, %get3A_242] {strides = array<i32>} : memref<64x384xf32, #tpu.memory_space<vmem>>, vector<1x16xf32>,
        %get3A_244 = vector.shape_cast %get3A_243 : vector<1x16xf32> to vector<16xf32>
        %add3A_245 = arith.addf %add3A_205, %get3A_244 : vector<16xf32>
        %get3A_246 = arith.index_cast %add3A_176 : i32 to index
        %get3A_247 = arith.constant 224 : index
        %get3A_248 = tpu.vector_load %arg5[%get3A_246, %get3A_247] {strides = array<i32>} : memref<64x384xf32, #tpu.memory_space<vmem>>, vector<1x16xf32>,
        %get3A_249 = vector.shape_cast %get3A_248 : vector<1x16xf32> to vector<16xf32>
        %add3A_250 = arith.addf %add3A_210, %get3A_249 : vector<16xf32>
        %get3A_251 = arith.index_cast %add3A_176 : i32 to index
        %get3A_252 = arith.constant 240 : index
        %get3A_253 = tpu.vector_load %arg5[%get3A_251, %get3A_252] {strides = array<i32>} : memref<64x384xf32, #tpu.memory_space<vmem>>, vector<1x16xf32>,
        %get3A_254 = vector.shape_cast %get3A_253 : vector<1x16xf32> to vector<16xf32>
        %add3A_255 = arith.addf %add3A_215, %get3A_254 : vector<16xf32>
        %get3A_256 = arith.index_cast %add3A_176 : i32 to index
        %get3A_257 = arith.constant 256 : index
        %get3A_258 = tpu.vector_load %arg5[%get3A_256, %get3A_257] {strides = array<i32>} : memref<64x384xf32, #tpu.memory_space<vmem>>, vector<1x16xf32>,
        %get3A_259 = vector.shape_cast %get3A_258 : vector<1x16xf32> to vector<16xf32>
        %add3A_260 = arith.addf %add3A_220, %get3A_259 : vector<16xf32>
        %get3A_261 = arith.index_cast %add3A_176 : i32 to index
        %get3A_262 = arith.constant 272 : index
        %get3A_263 = tpu.vector_load %arg5[%get3A_261, %get3A_262] {strides = array<i32>} : memref<64x384xf32, #tpu.memory_space<vmem>>, vector<1x16xf32>,
        %get3A_264 = vector.shape_cast %get3A_263 : vector<1x16xf32> to vector<16xf32>
        %add3A_265 = arith.addf %add3A_225, %get3A_264 : vector<16xf32>
        %get3A_266 = arith.index_cast %add3A_176 : i32 to index
        %get3A_267 = arith.constant 288 : index
        %get3A_268 = tpu.vector_load %arg5[%get3A_266, %get3A_267] {strides = array<i32>} : memref<64x384xf32, #tpu.memory_space<vmem>>, vector<1x16xf32>,
        %get3A_269 = vector.shape_cast %get3A_268 : vector<1x16xf32> to vector<16xf32>
        %add3A_270 = arith.addf %add3A_230, %get3A_269 : vector<16xf32>
        %get3A_271 = arith.index_cast %add3A_176 : i32 to index
        %get3A_272 = arith.constant 304 : index
        %get3A_273 = tpu.vector_load %arg5[%get3A_271, %get3A_272] {strides = array<i32>} : memref<64x384xf32, #tpu.memory_space<vmem>>, vector<1x16xf32>,
        %get3A_274 = vector.shape_cast %get3A_273 : vector<1x16xf32> to vector<16xf32>
        %add3A_275 = arith.addf %add3A_235, %get3A_274 : vector<16xf32>
        %get3A_276 = arith.index_cast %add3A_176 : i32 to index
        %get3A_277 = arith.constant 320 : index
        %get3A_278 = tpu.vector_load %arg5[%get3A_276, %get3A_277] {strides = array<i32>} : memref<64x384xf32, #tpu.memory_space<vmem>>, vector<1x16xf32>,
        %get3A_279 = vector.shape_cast %get3A_278 : vector<1x16xf32> to vector<16xf32>
        %add3A_280 = arith.addf %add3A_240, %get3A_279 : vector<16xf32>
        %get3A_281 = arith.index_cast %add3A_176 : i32 to index
        %get3A_282 = arith.constant 336 : index
        %get3A_283 = tpu.vector_load %arg5[%get3A_281, %get3A_282] {strides = array<i32>} : memref<64x384xf32, #tpu.memory_space<vmem>>, vector<1x16xf32>,
        %get3A_284 = vector.shape_cast %get3A_283 : vector<1x16xf32> to vector<16xf32>
        %add3A_285 = arith.addf %add3A_245, %get3A_284 : vector<16xf32>
        %get3A_286 = arith.index_cast %add3A_176 : i32 to index
        %get3A_287 = arith.constant 352 : index
        %get3A_288 = tpu.vector_load %arg5[%get3A_286, %get3A_287] {strides = array<i32>} : memref<64x384xf32, #tpu.memory_space<vmem>>, vector<1x16xf32>,
        %get3A_289 = vector.shape_cast %get3A_288 : vector<1x16xf32> to vector<16xf32>
        %add3A_290 = arith.addf %add3A_250, %get3A_289 : vector<16xf32>
        %get3A_291 = arith.index_cast %add3A_176 : i32 to index
        %get3A_292 = arith.constant 368 : index
        %get3A_293 = tpu.vector_load %arg5[%get3A_291, %get3A_292] {strides = array<i32>} : memref<64x384xf32, #tpu.memory_space<vmem>>, vector<1x16xf32>,
        %get3A_294 = vector.shape_cast %get3A_293 : vector<1x16xf32> to vector<16xf32>
        %add3A_295 = arith.addf %add3A_255, %get3A_294 : vector<16xf32>
        scf.yield %add3A_260, %add3A_265, %add3A_270, %add3A_275, %add3A_280, %add3A_285, %add3A_290, %add3A_295 : vector<16xf32>, vector<16xf32>, vector<16xf32>, vector<16xf32>, vector<16xf32>, vector<16xf32>, vector<16xf32>, vector<16xf32>
      }
      %scan3A_130 = arith.constant 64 : i32
      %add3A_131 = arith.constant 1 : i32
      %add3A_132 = arith.addi %add3A_36, %add3A_131 : i32
      %lt3A_133 = arith.constant 6 : i32
      %lt3A_134 = arith.cmpi slt, %add3A_132, %lt3A_133 : i32
      %convert_element_type3A_135 = arith.extui %lt3A_134 : i1 to i32
      %cond3A_136 = arith.constant 0 : i32
      %cond3A_137 = arith.cmpi ne, %convert_element_type3A_135, %cond3A_136 : i32
      scf.if %cond3A_137 {
        %add3A_164 = arith.constant 1 : i32
        %add3A_165 = arith.addi %add3A_36, %add3A_164 : i32
        %add3A_166 = arith.addi %add3A_4, %add3A_165 : i32
        %dma_start3A_167 = arith.constant 64 : i32
        %dma_start3A_168 = arith.constant 0 : i32
        %dma_start3A_169 = tpu.memref_slice %arg2[%add3A_166, %dma_start3A_167, %dma_start3A_168] : memref<768x384x384xf32, #tpu.memory_space<hbm>> -> memref<1x64x384xf32, #tpu.memory_space<hbm>>
        %dma_start3A_170 = tpu.memref_squeeze %dma_start3A_169 : memref<1x64x384xf32, #tpu.memory_space<hbm>> -> memref<64x384xf32, #tpu.memory_space<hbm>>
        %dma_start3A_171 = arith.constant 64 : i32
        %dma_start3A_172 = arith.constant 0 : i32
        %dma_start3A_173 = tpu.memref_slice %arg2[%add3A_166, %dma_start3A_171, %dma_start3A_172] : memref<768x384x384xf32, #tpu.memory_space<hbm>> -> memref<1x64x384xf32, #tpu.memory_space<hbm>>
        %dma_start3A_174 = tpu.memref_squeeze %dma_start3A_173 : memref<1x64x384xf32, #tpu.memory_space<hbm>> -> memref<64x384xf32, #tpu.memory_space<hbm>>
        tpu.enqueue_dma source(%dma_start3A_174 : memref<64x384xf32, #tpu.memory_space<hbm>>) target(%arg5 : memref<64x384xf32, #tpu.memory_space<vmem>>) target_semaphore(%arg9 : memref<!tpu.dma_semaphore, #tpu.memory_space<semaphore_mem>>)
      } else {
      }
      %dma_wait3A_138 = arith.constant 0 : i32
      %dma_wait3A_139 = arith.constant 0 : i32
      %dma_wait3A_140 = tpu.memref_slice %arg2[%add3A_4, %dma_wait3A_138, %dma_wait3A_139] : memref<768x384x384xf32, #tpu.memory_space<hbm>> -> memref<1x64x384xf32, #tpu.memory_space<hbm>>
      %dma_wait3A_141 = tpu.memref_squeeze %dma_wait3A_140 : memref<1x64x384xf32, #tpu.memory_space<hbm>> -> memref<64x384xf32, #tpu.memory_space<hbm>>
      %dma_wait3A_142 = arith.constant 0 : i32
      %dma_wait3A_143 = arith.constant 0 : i32
      %dma_wait3A_144 = tpu.memref_slice %arg2[%add3A_4, %dma_wait3A_142, %dma_wait3A_143] : memref<768x384x384xf32, #tpu.memory_space<hbm>> -> memref<1x64x384xf32, #tpu.memory_space<hbm>>
      %dma_wait3A_145 = tpu.memref_squeeze %dma_wait3A_144 : memref<1x64x384xf32, #tpu.memory_space<hbm>> -> memref<64x384xf32, #tpu.memory_space<hbm>>
      tpu.wait_dma2 semaphore(%arg10 : memref<!tpu.dma_semaphore, #tpu.memory_space<semaphore_mem>>) src(%dma_wait3A_145 : memref<64x384xf32, #tpu.memory_space<hbm>>) dst(%arg6 : memref<64x384xf32, #tpu.memory_space<vmem>>)
      %scan3A_146 = arith.constant 0 : i32
      %scan3A_147 = arith.constant 64 : i32
      %scan3A_148 = arith.addi %scan3A_146, %scan3A_147 : i32
      %scan3A_149 = arith.constant 1 : i32
      %scan3A_150:8 = scf.for %scan3A_164 = %scan3A_146 to %scan3A_148 step %scan3A_149 iter_args(%scan3A_165 = %scan3A_129#0, %scan3A_166 = %scan3A_129#1, %scan3A_167 = %scan3A_129#2, %scan3A_168 = %scan3A_129#3, %scan3A_169 = %scan3A_129#4, %scan3A_170 = %scan3A_129#5, %scan3A_171 = %scan3A_129#6, %scan3A_172 = %scan3A_129#7) -> (vector<16xf32>, vector<16xf32>, vector<16xf32>, vector<16xf32>, vector<16xf32>, vector<16xf32>, vector<16xf32>, vector<16xf32>)  : i32 {
        %mul3A_173 = arith.constant 1 : i32
        %mul3A_174 = arith.muli %scan3A_164, %mul3A_173 : i32
        %add3A_175 = arith.constant 0 : i32
        %add3A_176 = arith.addi %add3A_175, %mul3A_174 : i32
        %get3A = arith.index_cast %add3A_176 : i32 to index
        %get3A_177 = arith.constant 0 : index
        %get3A_178 = tpu.vector_load %arg6[%get3A, %get3A_177] {strides = array<i32>} : memref<64x384xf32, #tpu.memory_space<vmem>>, vector<1x16xf32>,
        %get3A_179 = vector.shape_cast %get3A_178 : vector<1x16xf32> to vector<16xf32>
        %add3A_180 = arith.addf %scan3A_165, %get3A_179 : vector<16xf32>
        %get3A_181 = arith.index_cast %add3A_176 : i32 to index
        %get3A_182 = arith.constant 16 : index
        %get3A_183 = tpu.vector_load %arg6[%get3A_181, %get3A_182] {strides = array<i32>} : memref<64x384xf32, #tpu.memory_space<vmem>>, vector<1x16xf32>,
        %get3A_184 = vector.shape_cast %get3A_183 : vector<1x16xf32> to vector<16xf32>
        %add3A_185 = arith.addf %scan3A_166, %get3A_184 : vector<16xf32>
        %get3A_186 = arith.index_cast %add3A_176 : i32 to index
        %get3A_187 = arith.constant 32 : index
        %get3A_188 = tpu.vector_load %arg6[%get3A_186, %get3A_187] {strides = array<i32>} : memref<64x384xf32, #tpu.memory_space<vmem>>, vector<1x16xf32>,
        %get3A_189 = vector.shape_cast %get3A_188 : vector<1x16xf32> to vector<16xf32>
        %add3A_190 = arith.addf %scan3A_167, %get3A_189 : vector<16xf32>
        %get3A_191 = arith.index_cast %add3A_176 : i32 to index
        %get3A_192 = arith.constant 48 : index
        %get3A_193 = tpu.vector_load %arg6[%get3A_191, %get3A_192] {strides = array<i32>} : memref<64x384xf32, #tpu.memory_space<vmem>>, vector<1x16xf32>,
        %get3A_194 = vector.shape_cast %get3A_193 : vector<1x16xf32> to vector<16xf32>
        %add3A_195 = arith.addf %scan3A_168, %get3A_194 : vector<16xf32>
        %get3A_196 = arith.index_cast %add3A_176 : i32 to index
        %get3A_197 = arith.constant 64 : index
        %get3A_198 = tpu.vector_load %arg6[%get3A_196, %get3A_197] {strides = array<i32>} : memref<64x384xf32, #tpu.memory_space<vmem>>, vector<1x16xf32>,
        %get3A_199 = vector.shape_cast %get3A_198 : vector<1x16xf32> to vector<16xf32>
        %add3A_200 = arith.addf %scan3A_169, %get3A_199 : vector<16xf32>
        %get3A_201 = arith.index_cast %add3A_176 : i32 to index
        %get3A_202 = arith.constant 80 : index
        %get3A_203 = tpu.vector_load %arg6[%get3A_201, %get3A_202] {strides = array<i32>} : memref<64x384xf32, #tpu.memory_space<vmem>>, vector<1x16xf32>,
        %get3A_204 = vector.shape_cast %get3A_203 : vector<1x16xf32> to vector<16xf32>
        %add3A_205 = arith.addf %scan3A_170, %get3A_204 : vector<16xf32>
        %get3A_206 = arith.index_cast %add3A_176 : i32 to index
        %get3A_207 = arith.constant 96 : index
        %get3A_208 = tpu.vector_load %arg6[%get3A_206, %get3A_207] {strides = array<i32>} : memref<64x384xf32, #tpu.memory_space<vmem>>, vector<1x16xf32>,
        %get3A_209 = vector.shape_cast %get3A_208 : vector<1x16xf32> to vector<16xf32>
        %add3A_210 = arith.addf %scan3A_171, %get3A_209 : vector<16xf32>
        %get3A_211 = arith.index_cast %add3A_176 : i32 to index
        %get3A_212 = arith.constant 112 : index
        %get3A_213 = tpu.vector_load %arg6[%get3A_211, %get3A_212] {strides = array<i32>} : memref<64x384xf32, #tpu.memory_space<vmem>>, vector<1x16xf32>,
        %get3A_214 = vector.shape_cast %get3A_213 : vector<1x16xf32> to vector<16xf32>
        %add3A_215 = arith.addf %scan3A_172, %get3A_214 : vector<16xf32>
        %get3A_216 = arith.index_cast %add3A_176 : i32 to index
        %get3A_217 = arith.constant 128 : index
        %get3A_218 = tpu.vector_load %arg6[%get3A_216, %get3A_217] {strides = array<i32>} : memref<64x384xf32, #tpu.memory_space<vmem>>, vector<1x16xf32>,
        %get3A_219 = vector.shape_cast %get3A_218 : vector<1x16xf32> to vector<16xf32>
        %add3A_220 = arith.addf %add3A_180, %get3A_219 : vector<16xf32>
        %get3A_221 = arith.index_cast %add3A_176 : i32 to index
        %get3A_222 = arith.constant 144 : index
        %get3A_223 = tpu.vector_load %arg6[%get3A_221, %get3A_222] {strides = array<i32>} : memref<64x384xf32, #tpu.memory_space<vmem>>, vector<1x16xf32>,
        %get3A_224 = vector.shape_cast %get3A_223 : vector<1x16xf32> to vector<16xf32>
        %add3A_225 = arith.addf %add3A_185, %get3A_224 : vector<16xf32>
        %get3A_226 = arith.index_cast %add3A_176 : i32 to index
        %get3A_227 = arith.constant 160 : index
        %get3A_228 = tpu.vector_load %arg6[%get3A_226, %get3A_227] {strides = array<i32>} : memref<64x384xf32, #tpu.memory_space<vmem>>, vector<1x16xf32>,
        %get3A_229 = vector.shape_cast %get3A_228 : vector<1x16xf32> to vector<16xf32>
        %add3A_230 = arith.addf %add3A_190, %get3A_229 : vector<16xf32>
        %get3A_231 = arith.index_cast %add3A_176 : i32 to index
        %get3A_232 = arith.constant 176 : index
        %get3A_233 = tpu.vector_load %arg6[%get3A_231, %get3A_232] {strides = array<i32>} : memref<64x384xf32, #tpu.memory_space<vmem>>, vector<1x16xf32>,
        %get3A_234 = vector.shape_cast %get3A_233 : vector<1x16xf32> to vector<16xf32>
        %add3A_235 = arith.addf %add3A_195, %get3A_234 : vector<16xf32>
        %get3A_236 = arith.index_cast %add3A_176 : i32 to index
        %get3A_237 = arith.constant 192 : index
        %get3A_238 = tpu.vector_load %arg6[%get3A_236, %get3A_237] {strides = array<i32>} : memref<64x384xf32, #tpu.memory_space<vmem>>, vector<1x16xf32>,
        %get3A_239 = vector.shape_cast %get3A_238 : vector<1x16xf32> to vector<16xf32>
        %add3A_240 = arith.addf %add3A_200, %get3A_239 : vector<16xf32>
        %get3A_241 = arith.index_cast %add3A_176 : i32 to index
        %get3A_242 = arith.constant 208 : index
        %get3A_243 = tpu.vector_load %arg6[%get3A_241, %get3A_242] {strides = array<i32>} : memref<64x384xf32, #tpu.memory_space<vmem>>, vector<1x16xf32>,
        %get3A_244 = vector.shape_cast %get3A_243 : vector<1x16xf32> to vector<16xf32>
        %add3A_245 = arith.addf %add3A_205, %get3A_244 : vector<16xf32>
        %get3A_246 = arith.index_cast %add3A_176 : i32 to index
        %get3A_247 = arith.constant 224 : index
        %get3A_248 = tpu.vector_load %arg6[%get3A_246, %get3A_247] {strides = array<i32>} : memref<64x384xf32, #tpu.memory_space<vmem>>, vector<1x16xf32>,
        %get3A_249 = vector.shape_cast %get3A_248 : vector<1x16xf32> to vector<16xf32>
        %add3A_250 = arith.addf %add3A_210, %get3A_249 : vector<16xf32>
        %get3A_251 = arith.index_cast %add3A_176 : i32 to index
        %get3A_252 = arith.constant 240 : index
        %get3A_253 = tpu.vector_load %arg6[%get3A_251, %get3A_252] {strides = array<i32>} : memref<64x384xf32, #tpu.memory_space<vmem>>, vector<1x16xf32>,
        %get3A_254 = vector.shape_cast %get3A_253 : vector<1x16xf32> to vector<16xf32>
        %add3A_255 = arith.addf %add3A_215, %get3A_254 : vector<16xf32>
        %get3A_256 = arith.index_cast %add3A_176 : i32 to index
        %get3A_257 = arith.constant 256 : index
        %get3A_258 = tpu.vector_load %arg6[%get3A_256, %get3A_257] {strides = array<i32>} : memref<64x384xf32, #tpu.memory_space<vmem>>, vector<1x16xf32>,
        %get3A_259 = vector.shape_cast %get3A_258 : vector<1x16xf32> to vector<16xf32>
        %add3A_260 = arith.addf %add3A_220, %get3A_259 : vector<16xf32>
        %get3A_261 = arith.index_cast %add3A_176 : i32 to index
        %get3A_262 = arith.constant 272 : index
        %get3A_263 = tpu.vector_load %arg6[%get3A_261, %get3A_262] {strides = array<i32>} : memref<64x384xf32, #tpu.memory_space<vmem>>, vector<1x16xf32>,
        %get3A_264 = vector.shape_cast %get3A_263 : vector<1x16xf32> to vector<16xf32>
        %add3A_265 = arith.addf %add3A_225, %get3A_264 : vector<16xf32>
        %get3A_266 = arith.index_cast %add3A_176 : i32 to index
        %get3A_267 = arith.constant 288 : index
        %get3A_268 = tpu.vector_load %arg6[%get3A_266, %get3A_267] {strides = array<i32>} : memref<64x384xf32, #tpu.memory_space<vmem>>, vector<1x16xf32>,
        %get3A_269 = vector.shape_cast %get3A_268 : vector<1x16xf32> to vector<16xf32>
        %add3A_270 = arith.addf %add3A_230, %get3A_269 : vector<16xf32>
        %get3A_271 = arith.index_cast %add3A_176 : i32 to index
        %get3A_272 = arith.constant 304 : index
        %get3A_273 = tpu.vector_load %arg6[%get3A_271, %get3A_272] {strides = array<i32>} : memref<64x384xf32, #tpu.memory_space<vmem>>, vector<1x16xf32>,
        %get3A_274 = vector.shape_cast %get3A_273 : vector<1x16xf32> to vector<16xf32>
        %add3A_275 = arith.addf %add3A_235, %get3A_274 : vector<16xf32>
        %get3A_276 = arith.index_cast %add3A_176 : i32 to index
        %get3A_277 = arith.constant 320 : index
        %get3A_278 = tpu.vector_load %arg6[%get3A_276, %get3A_277] {strides = array<i32>} : memref<64x384xf32, #tpu.memory_space<vmem>>, vector<1x16xf32>,
        %get3A_279 = vector.shape_cast %get3A_278 : vector<1x16xf32> to vector<16xf32>
        %add3A_280 = arith.addf %add3A_240, %get3A_279 : vector<16xf32>
        %get3A_281 = arith.index_cast %add3A_176 : i32 to index
        %get3A_282 = arith.constant 336 : index
        %get3A_283 = tpu.vector_load %arg6[%get3A_281, %get3A_282] {strides = array<i32>} : memref<64x384xf32, #tpu.memory_space<vmem>>, vector<1x16xf32>,
        %get3A_284 = vector.shape_cast %get3A_283 : vector<1x16xf32> to vector<16xf32>
        %add3A_285 = arith.addf %add3A_245, %get3A_284 : vector<16xf32>
        %get3A_286 = arith.index_cast %add3A_176 : i32 to index
        %get3A_287 = arith.constant 352 : index
        %get3A_288 = tpu.vector_load %arg6[%get3A_286, %get3A_287] {strides = array<i32>} : memref<64x384xf32, #tpu.memory_space<vmem>>, vector<1x16xf32>,
        %get3A_289 = vector.shape_cast %get3A_288 : vector<1x16xf32> to vector<16xf32>
        %add3A_290 = arith.addf %add3A_250, %get3A_289 : vector<16xf32>
        %get3A_291 = arith.index_cast %add3A_176 : i32 to index
        %get3A_292 = arith.constant 368 : index
        %get3A_293 = tpu.vector_load %arg6[%get3A_291, %get3A_292] {strides = array<i32>} : memref<64x384xf32, #tpu.memory_space<vmem>>, vector<1x16xf32>,
        %get3A_294 = vector.shape_cast %get3A_293 : vector<1x16xf32> to vector<16xf32>
        %add3A_295 = arith.addf %add3A_255, %get3A_294 : vector<16xf32>
        scf.yield %add3A_260, %add3A_265, %add3A_270, %add3A_275, %add3A_280, %add3A_285, %add3A_290, %add3A_295 : vector<16xf32>, vector<16xf32>, vector<16xf32>, vector<16xf32>, vector<16xf32>, vector<16xf32>, vector<16xf32>, vector<16xf32>
      }
      %scan3A_151 = arith.constant 64 : i32
      %add3A_152 = arith.addf %scan3A_150#0, %scan3A_150#1 : vector<16xf32>
      %add3A_153 = arith.addf %scan3A_150#2, %scan3A_150#3 : vector<16xf32>
      %add3A_154 = arith.addf %add3A_152, %add3A_153 : vector<16xf32>
      %add3A_155 = arith.addf %scan3A_150#4, %scan3A_150#5 : vector<16xf32>
      %add3A_156 = arith.addf %scan3A_150#6, %scan3A_150#7 : vector<16xf32>
      %add3A_157 = arith.addf %add3A_155, %add3A_156 : vector<16xf32>
      %add3A_158 = arith.addf %add3A_154, %add3A_157 : vector<16xf32>
      %mul3A_159 = arith.constant 16 : i32
      %mul3A_160 = arith.muli %add3A_36, %mul3A_159 : i32
      %multiple_of3A = tpu.assume_multiple %mul3A_160, 16 : i32
      %swap3A = arith.index_cast %multiple_of3A : i32 to index
      %swap3A_161 = tpu.vector_load %arg7[%swap3A] {strides = array<i32>} : memref<96xf32, #tpu.memory_space<vmem>>, vector<16xf32>,
      %swap3A_162 = vector.shape_cast %swap3A_161 : vector<16xf32> to vector<16xf32>
      %swap3A_163 = vector.shape_cast %add3A_158 : vector<16xf32> to vector<16xf32>
      tpu.vector_store %arg7[%swap3A], %swap3A_163 {strides = array<i32>} : memref<96xf32, #tpu.memory_space<vmem>>, vector<16xf32>,
    }
    %scan3A_27 = arith.constant 6 : i32
    %mul3A_28 = arith.constant 6 : i32
    %mul3A_29 = arith.muli %add3A, %mul3A_28 : i32
    %mul3A_30 = arith.constant 16 : i32
    %mul3A_31 = arith.muli %mul3A_29, %mul3A_30 : i32
    "tpu.region"() ({
      %run_scoped3A = tpu.sem_alloc : memref<!tpu.dma_semaphore, #tpu.memory_space<semaphore_mem>>
      %dma_start3A_32 = tpu.memref_slice %arg3[%mul3A_31] : memref<3072xf32, #tpu.memory_space<hbm>> -> memref<96xf32, #tpu.memory_space<hbm>>
      %dma_start3A_33 = tpu.memref_slice %arg3[%mul3A_31] : memref<3072xf32, #tpu.memory_space<hbm>> -> memref<96xf32, #tpu.memory_space<hbm>>
      tpu.enqueue_dma source(%arg7 : memref<96xf32, #tpu.memory_space<vmem>>) target(%dma_start3A_33 : memref<96xf32, #tpu.memory_space<hbm>>) target_semaphore(%run_scoped3A : memref<!tpu.dma_semaphore, #tpu.memory_space<semaphore_mem>>)
      %dma_wait3A = tpu.memref_slice %arg3[%mul3A_31] : memref<3072xf32, #tpu.memory_space<hbm>> -> memref<96xf32, #tpu.memory_space<hbm>>
      %dma_wait3A_34 = tpu.memref_slice %arg3[%mul3A_31] : memref<3072xf32, #tpu.memory_space<hbm>> -> memref<96xf32, #tpu.memory_space<hbm>>
      tpu.wait_dma2 semaphore(%run_scoped3A : memref<!tpu.dma_semaphore, #tpu.memory_space<semaphore_mem>>) src(%arg7 : memref<96xf32, #tpu.memory_space<vmem>>) dst(%dma_wait3A_34 : memref<96xf32, #tpu.memory_space<hbm>>)
      tpu.yield
    }) : () -> ()
    return
  }
}

module attributes {stable_mosaic.version = 14 : i64} {
  func.func @_tc_pool_body(%arg0: memref<768x384x384xf32, #tpu.memory_space<any>>, %arg1: memref<576x1x1xf32, #tpu.memory_space<vmem>>, %arg2: memref<8x8x384x384xf32, #tpu.memory_space<vmem>>, %arg3: memref<8x!tpu.dma_semaphore, #tpu.memory_space<semaphore_mem>>) attributes {dimension_semantics = [], scalar_prefetch = 0 : i64, scratch_operands = 2 : i64, tpu.core_type = #tpu.core_type<tc>} {
    %rem3A = arith.constant 0 : i32
    %rem3A_0 = arith.constant 8 : i32
    %rem3A_1 = arith.remsi %rem3A, %rem3A_0 : i32
    %dma_start3A = tpu.memref_slice %arg3[%rem3A_1] : memref<8x!tpu.dma_semaphore, #tpu.memory_space<semaphore_mem>> -> memref<1x!tpu.dma_semaphore, #tpu.memory_space<semaphore_mem>>
    %dma_start3A_2 = tpu.memref_squeeze %dma_start3A : memref<1x!tpu.dma_semaphore, #tpu.memory_space<semaphore_mem>> -> memref<!tpu.dma_semaphore, #tpu.memory_space<semaphore_mem>>
    %dma_start3A_3 = arith.constant 0 : i32
    %dma_start3A_4 = arith.constant 0 : i32
    %dma_start3A_5 = arith.constant 0 : i32
    %dma_start3A_6 = tpu.memref_slice %arg2[%rem3A_1, %dma_start3A_3, %dma_start3A_4, %dma_start3A_5] : memref<8x8x384x384xf32, #tpu.memory_space<vmem>> -> memref<1x8x384x384xf32, #tpu.memory_space<vmem>>
    %dma_start3A_7 = tpu.memref_squeeze %dma_start3A_6 : memref<1x8x384x384xf32, #tpu.memory_space<vmem>> -> memref<8x384x384xf32, #tpu.memory_space<vmem>>
    %dma_start3A_8 = arith.constant 0 : i32
    %dma_start3A_9 = arith.constant 0 : i32
    %dma_start3A_10 = arith.constant 0 : i32
    %dma_start3A_11 = tpu.memref_slice %arg0[%dma_start3A_8, %dma_start3A_9, %dma_start3A_10] : memref<768x384x384xf32, #tpu.memory_space<any>> -> memref<8x384x384xf32, #tpu.memory_space<any>>
    tpu.enqueue_dma source(%dma_start3A_11 : memref<8x384x384xf32, #tpu.memory_space<any>>) target(%dma_start3A_7 : memref<8x384x384xf32, #tpu.memory_space<vmem>>) target_semaphore(%dma_start3A_2 : memref<!tpu.dma_semaphore, #tpu.memory_space<semaphore_mem>>)
    %rem3A_12 = arith.constant 1 : i32
    %rem3A_13 = arith.constant 8 : i32
    %rem3A_14 = arith.remsi %rem3A_12, %rem3A_13 : i32
    %dma_start3A_15 = tpu.memref_slice %arg3[%rem3A_14] : memref<8x!tpu.dma_semaphore, #tpu.memory_space<semaphore_mem>> -> memref<1x!tpu.dma_semaphore, #tpu.memory_space<semaphore_mem>>
    %dma_start3A_16 = tpu.memref_squeeze %dma_start3A_15 : memref<1x!tpu.dma_semaphore, #tpu.memory_space<semaphore_mem>> -> memref<!tpu.dma_semaphore, #tpu.memory_space<semaphore_mem>>
    %dma_start3A_17 = arith.constant 0 : i32
    %dma_start3A_18 = arith.constant 0 : i32
    %dma_start3A_19 = arith.constant 0 : i32
    %dma_start3A_20 = tpu.memref_slice %arg2[%rem3A_14, %dma_start3A_17, %dma_start3A_18, %dma_start3A_19] : memref<8x8x384x384xf32, #tpu.memory_space<vmem>> -> memref<1x8x384x384xf32, #tpu.memory_space<vmem>>
    %dma_start3A_21 = tpu.memref_squeeze %dma_start3A_20 : memref<1x8x384x384xf32, #tpu.memory_space<vmem>> -> memref<8x384x384xf32, #tpu.memory_space<vmem>>
    %dma_start3A_22 = arith.constant 8 : i32
    %dma_start3A_23 = arith.constant 0 : i32
    %dma_start3A_24 = arith.constant 0 : i32
    %dma_start3A_25 = tpu.memref_slice %arg0[%dma_start3A_22, %dma_start3A_23, %dma_start3A_24] : memref<768x384x384xf32, #tpu.memory_space<any>> -> memref<8x384x384xf32, #tpu.memory_space<any>>
    tpu.enqueue_dma source(%dma_start3A_25 : memref<8x384x384xf32, #tpu.memory_space<any>>) target(%dma_start3A_21 : memref<8x384x384xf32, #tpu.memory_space<vmem>>) target_semaphore(%dma_start3A_16 : memref<!tpu.dma_semaphore, #tpu.memory_space<semaphore_mem>>) {priority = 1 : i32}
    %rem3A_26 = arith.constant 2 : i32
    %rem3A_27 = arith.constant 8 : i32
    %rem3A_28 = arith.remsi %rem3A_26, %rem3A_27 : i32
    %dma_start3A_29 = tpu.memref_slice %arg3[%rem3A_28] : memref<8x!tpu.dma_semaphore, #tpu.memory_space<semaphore_mem>> -> memref<1x!tpu.dma_semaphore, #tpu.memory_space<semaphore_mem>>
    %dma_start3A_30 = tpu.memref_squeeze %dma_start3A_29 : memref<1x!tpu.dma_semaphore, #tpu.memory_space<semaphore_mem>> -> memref<!tpu.dma_semaphore, #tpu.memory_space<semaphore_mem>>
    %dma_start3A_31 = arith.constant 0 : i32
    %dma_start3A_32 = arith.constant 0 : i32
    %dma_start3A_33 = arith.constant 0 : i32
    %dma_start3A_34 = tpu.memref_slice %arg2[%rem3A_28, %dma_start3A_31, %dma_start3A_32, %dma_start3A_33] : memref<8x8x384x384xf32, #tpu.memory_space<vmem>> -> memref<1x8x384x384xf32, #tpu.memory_space<vmem>>
    %dma_start3A_35 = tpu.memref_squeeze %dma_start3A_34 : memref<1x8x384x384xf32, #tpu.memory_space<vmem>> -> memref<8x384x384xf32, #tpu.memory_space<vmem>>
    %dma_start3A_36 = arith.constant 16 : i32
    %dma_start3A_37 = arith.constant 0 : i32
    %dma_start3A_38 = arith.constant 0 : i32
    %dma_start3A_39 = tpu.memref_slice %arg0[%dma_start3A_36, %dma_start3A_37, %dma_start3A_38] : memref<768x384x384xf32, #tpu.memory_space<any>> -> memref<8x384x384xf32, #tpu.memory_space<any>>
    tpu.enqueue_dma source(%dma_start3A_39 : memref<8x384x384xf32, #tpu.memory_space<any>>) target(%dma_start3A_35 : memref<8x384x384xf32, #tpu.memory_space<vmem>>) target_semaphore(%dma_start3A_30 : memref<!tpu.dma_semaphore, #tpu.memory_space<semaphore_mem>>)
    %rem3A_40 = arith.constant 3 : i32
    %rem3A_41 = arith.constant 8 : i32
    %rem3A_42 = arith.remsi %rem3A_40, %rem3A_41 : i32
    %dma_start3A_43 = tpu.memref_slice %arg3[%rem3A_42] : memref<8x!tpu.dma_semaphore, #tpu.memory_space<semaphore_mem>> -> memref<1x!tpu.dma_semaphore, #tpu.memory_space<semaphore_mem>>
    %dma_start3A_44 = tpu.memref_squeeze %dma_start3A_43 : memref<1x!tpu.dma_semaphore, #tpu.memory_space<semaphore_mem>> -> memref<!tpu.dma_semaphore, #tpu.memory_space<semaphore_mem>>
    %dma_start3A_45 = arith.constant 0 : i32
    %dma_start3A_46 = arith.constant 0 : i32
    %dma_start3A_47 = arith.constant 0 : i32
    %dma_start3A_48 = tpu.memref_slice %arg2[%rem3A_42, %dma_start3A_45, %dma_start3A_46, %dma_start3A_47] : memref<8x8x384x384xf32, #tpu.memory_space<vmem>> -> memref<1x8x384x384xf32, #tpu.memory_space<vmem>>
    %dma_start3A_49 = tpu.memref_squeeze %dma_start3A_48 : memref<1x8x384x384xf32, #tpu.memory_space<vmem>> -> memref<8x384x384xf32, #tpu.memory_space<vmem>>
    %dma_start3A_50 = arith.constant 24 : i32
    %dma_start3A_51 = arith.constant 0 : i32
    %dma_start3A_52 = arith.constant 0 : i32
    %dma_start3A_53 = tpu.memref_slice %arg0[%dma_start3A_50, %dma_start3A_51, %dma_start3A_52] : memref<768x384x384xf32, #tpu.memory_space<any>> -> memref<8x384x384xf32, #tpu.memory_space<any>>
    tpu.enqueue_dma source(%dma_start3A_53 : memref<8x384x384xf32, #tpu.memory_space<any>>) target(%dma_start3A_49 : memref<8x384x384xf32, #tpu.memory_space<vmem>>) target_semaphore(%dma_start3A_44 : memref<!tpu.dma_semaphore, #tpu.memory_space<semaphore_mem>>) {priority = 1 : i32}
    %rem3A_54 = arith.constant 4 : i32
    %rem3A_55 = arith.constant 8 : i32
    %rem3A_56 = arith.remsi %rem3A_54, %rem3A_55 : i32
    %dma_start3A_57 = tpu.memref_slice %arg3[%rem3A_56] : memref<8x!tpu.dma_semaphore, #tpu.memory_space<semaphore_mem>> -> memref<1x!tpu.dma_semaphore, #tpu.memory_space<semaphore_mem>>
    %dma_start3A_58 = tpu.memref_squeeze %dma_start3A_57 : memref<1x!tpu.dma_semaphore, #tpu.memory_space<semaphore_mem>> -> memref<!tpu.dma_semaphore, #tpu.memory_space<semaphore_mem>>
    %dma_start3A_59 = arith.constant 0 : i32
    %dma_start3A_60 = arith.constant 0 : i32
    %dma_start3A_61 = arith.constant 0 : i32
    %dma_start3A_62 = tpu.memref_slice %arg2[%rem3A_56, %dma_start3A_59, %dma_start3A_60, %dma_start3A_61] : memref<8x8x384x384xf32, #tpu.memory_space<vmem>> -> memref<1x8x384x384xf32, #tpu.memory_space<vmem>>
    %dma_start3A_63 = tpu.memref_squeeze %dma_start3A_62 : memref<1x8x384x384xf32, #tpu.memory_space<vmem>> -> memref<8x384x384xf32, #tpu.memory_space<vmem>>
    %dma_start3A_64 = arith.constant 32 : i32
    %dma_start3A_65 = arith.constant 0 : i32
    %dma_start3A_66 = arith.constant 0 : i32
    %dma_start3A_67 = tpu.memref_slice %arg0[%dma_start3A_64, %dma_start3A_65, %dma_start3A_66] : memref<768x384x384xf32, #tpu.memory_space<any>> -> memref<8x384x384xf32, #tpu.memory_space<any>>
    tpu.enqueue_dma source(%dma_start3A_67 : memref<8x384x384xf32, #tpu.memory_space<any>>) target(%dma_start3A_63 : memref<8x384x384xf32, #tpu.memory_space<vmem>>) target_semaphore(%dma_start3A_58 : memref<!tpu.dma_semaphore, #tpu.memory_space<semaphore_mem>>)
    %rem3A_68 = arith.constant 5 : i32
    %rem3A_69 = arith.constant 8 : i32
    %rem3A_70 = arith.remsi %rem3A_68, %rem3A_69 : i32
    %dma_start3A_71 = tpu.memref_slice %arg3[%rem3A_70] : memref<8x!tpu.dma_semaphore, #tpu.memory_space<semaphore_mem>> -> memref<1x!tpu.dma_semaphore, #tpu.memory_space<semaphore_mem>>
    %dma_start3A_72 = tpu.memref_squeeze %dma_start3A_71 : memref<1x!tpu.dma_semaphore, #tpu.memory_space<semaphore_mem>> -> memref<!tpu.dma_semaphore, #tpu.memory_space<semaphore_mem>>
    %dma_start3A_73 = arith.constant 0 : i32
    %dma_start3A_74 = arith.constant 0 : i32
    %dma_start3A_75 = arith.constant 0 : i32
    %dma_start3A_76 = tpu.memref_slice %arg2[%rem3A_70, %dma_start3A_73, %dma_start3A_74, %dma_start3A_75] : memref<8x8x384x384xf32, #tpu.memory_space<vmem>> -> memref<1x8x384x384xf32, #tpu.memory_space<vmem>>
    %dma_start3A_77 = tpu.memref_squeeze %dma_start3A_76 : memref<1x8x384x384xf32, #tpu.memory_space<vmem>> -> memref<8x384x384xf32, #tpu.memory_space<vmem>>
    %dma_start3A_78 = arith.constant 40 : i32
    %dma_start3A_79 = arith.constant 0 : i32
    %dma_start3A_80 = arith.constant 0 : i32
    %dma_start3A_81 = tpu.memref_slice %arg0[%dma_start3A_78, %dma_start3A_79, %dma_start3A_80] : memref<768x384x384xf32, #tpu.memory_space<any>> -> memref<8x384x384xf32, #tpu.memory_space<any>>
    tpu.enqueue_dma source(%dma_start3A_81 : memref<8x384x384xf32, #tpu.memory_space<any>>) target(%dma_start3A_77 : memref<8x384x384xf32, #tpu.memory_space<vmem>>) target_semaphore(%dma_start3A_72 : memref<!tpu.dma_semaphore, #tpu.memory_space<semaphore_mem>>) {priority = 1 : i32}
    %rem3A_82 = arith.constant 6 : i32
    %rem3A_83 = arith.constant 8 : i32
    %rem3A_84 = arith.remsi %rem3A_82, %rem3A_83 : i32
    %dma_start3A_85 = tpu.memref_slice %arg3[%rem3A_84] : memref<8x!tpu.dma_semaphore, #tpu.memory_space<semaphore_mem>> -> memref<1x!tpu.dma_semaphore, #tpu.memory_space<semaphore_mem>>
    %dma_start3A_86 = tpu.memref_squeeze %dma_start3A_85 : memref<1x!tpu.dma_semaphore, #tpu.memory_space<semaphore_mem>> -> memref<!tpu.dma_semaphore, #tpu.memory_space<semaphore_mem>>
    %dma_start3A_87 = arith.constant 0 : i32
    %dma_start3A_88 = arith.constant 0 : i32
    %dma_start3A_89 = arith.constant 0 : i32
    %dma_start3A_90 = tpu.memref_slice %arg2[%rem3A_84, %dma_start3A_87, %dma_start3A_88, %dma_start3A_89] : memref<8x8x384x384xf32, #tpu.memory_space<vmem>> -> memref<1x8x384x384xf32, #tpu.memory_space<vmem>>
    %dma_start3A_91 = tpu.memref_squeeze %dma_start3A_90 : memref<1x8x384x384xf32, #tpu.memory_space<vmem>> -> memref<8x384x384xf32, #tpu.memory_space<vmem>>
    %dma_start3A_92 = arith.constant 48 : i32
    %dma_start3A_93 = arith.constant 0 : i32
    %dma_start3A_94 = arith.constant 0 : i32
    %dma_start3A_95 = tpu.memref_slice %arg0[%dma_start3A_92, %dma_start3A_93, %dma_start3A_94] : memref<768x384x384xf32, #tpu.memory_space<any>> -> memref<8x384x384xf32, #tpu.memory_space<any>>
    tpu.enqueue_dma source(%dma_start3A_95 : memref<8x384x384xf32, #tpu.memory_space<any>>) target(%dma_start3A_91 : memref<8x384x384xf32, #tpu.memory_space<vmem>>) target_semaphore(%dma_start3A_86 : memref<!tpu.dma_semaphore, #tpu.memory_space<semaphore_mem>>)
    %scan3A = arith.constant 0 : i32
    %scan3A_96 = arith.constant 36 : i32
    %scan3A_97 = arith.addi %scan3A, %scan3A_96 : i32
    %scan3A_98 = arith.constant 1 : i32
    scf.for %scan3A_100 = %scan3A to %scan3A_97 step %scan3A_98  : i32 {
      %mul3A = arith.constant 2 : i32
      %mul3A_101 = arith.muli %scan3A_100, %mul3A : i32
      %add3A = arith.constant 0 : i32
      %add3A_102 = arith.addi %add3A, %mul3A_101 : i32
      %add3A_103 = arith.constant 0 : i32
      %add3A_104 = arith.addi %add3A_102, %add3A_103 : i32
      %rem3A_105 = arith.constant 8 : i32
      %rem3A_106 = arith.remsi %add3A_104, %rem3A_105 : i32
      %add3A_107 = arith.constant 8 : i32
      %add3A_108 = arith.addi %add3A_104, %add3A_107 : i32
      %sub3A = arith.constant 1 : i32
      %sub3A_109 = arith.subi %add3A_108, %sub3A : i32
      %lt3A = arith.constant 72 : i32
      %lt3A_110 = arith.cmpi slt, %sub3A_109, %lt3A : i32
      %convert_element_type3A = arith.extui %lt3A_110 : i1 to i32
      %cond3A = arith.constant 0 : i32
      %cond3A_111 = arith.cmpi ne, %convert_element_type3A, %cond3A : i32
      scf.if %cond3A_111 {
        %rem3A_174 = arith.constant 8 : i32
        %rem3A_175 = arith.remsi %sub3A_109, %rem3A_174 : i32
        %mul3A_176 = arith.constant 8 : i32
        %mul3A_177 = arith.muli %sub3A_109, %mul3A_176 : i32
        %dma_start3A_178 = tpu.memref_slice %arg3[%rem3A_175] : memref<8x!tpu.dma_semaphore, #tpu.memory_space<semaphore_mem>> -> memref<1x!tpu.dma_semaphore, #tpu.memory_space<semaphore_mem>>
        %dma_start3A_179 = tpu.memref_squeeze %dma_start3A_178 : memref<1x!tpu.dma_semaphore, #tpu.memory_space<semaphore_mem>> -> memref<!tpu.dma_semaphore, #tpu.memory_space<semaphore_mem>>
        %dma_start3A_180 = arith.constant 0 : i32
        %dma_start3A_181 = arith.constant 0 : i32
        %dma_start3A_182 = arith.constant 0 : i32
        %dma_start3A_183 = tpu.memref_slice %arg2[%rem3A_175, %dma_start3A_180, %dma_start3A_181, %dma_start3A_182] : memref<8x8x384x384xf32, #tpu.memory_space<vmem>> -> memref<1x8x384x384xf32, #tpu.memory_space<vmem>>
        %dma_start3A_184 = tpu.memref_squeeze %dma_start3A_183 : memref<1x8x384x384xf32, #tpu.memory_space<vmem>> -> memref<8x384x384xf32, #tpu.memory_space<vmem>>
        %dma_start3A_185 = arith.constant 0 : i32
        %dma_start3A_186 = arith.constant 0 : i32
        %dma_start3A_187 = tpu.memref_slice %arg0[%mul3A_177, %dma_start3A_185, %dma_start3A_186] : memref<768x384x384xf32, #tpu.memory_space<any>> -> memref<8x384x384xf32, #tpu.memory_space<any>>
        tpu.enqueue_dma source(%dma_start3A_187 : memref<8x384x384xf32, #tpu.memory_space<any>>) target(%dma_start3A_184 : memref<8x384x384xf32, #tpu.memory_space<vmem>>) target_semaphore(%dma_start3A_179 : memref<!tpu.dma_semaphore, #tpu.memory_space<semaphore_mem>>) {priority = 1 : i32}
      } else {
      }
      %mul3A_112 = arith.constant 8 : i32
      %mul3A_113 = arith.muli %add3A_104, %mul3A_112 : i32
      %dma_wait3A = tpu.memref_slice %arg3[%rem3A_106] : memref<8x!tpu.dma_semaphore, #tpu.memory_space<semaphore_mem>> -> memref<1x!tpu.dma_semaphore, #tpu.memory_space<semaphore_mem>>
      %dma_wait3A_114 = tpu.memref_squeeze %dma_wait3A : memref<1x!tpu.dma_semaphore, #tpu.memory_space<semaphore_mem>> -> memref<!tpu.dma_semaphore, #tpu.memory_space<semaphore_mem>>
      %dma_wait3A_115 = arith.constant 0 : i32
      %dma_wait3A_116 = arith.constant 0 : i32
      %dma_wait3A_117 = arith.constant 0 : i32
      %dma_wait3A_118 = tpu.memref_slice %arg2[%rem3A_106, %dma_wait3A_115, %dma_wait3A_116, %dma_wait3A_117] : memref<8x8x384x384xf32, #tpu.memory_space<vmem>> -> memref<1x8x384x384xf32, #tpu.memory_space<vmem>>
      %dma_wait3A_119 = tpu.memref_squeeze %dma_wait3A_118 : memref<1x8x384x384xf32, #tpu.memory_space<vmem>> -> memref<8x384x384xf32, #tpu.memory_space<vmem>>
      %dma_wait3A_120 = arith.constant 0 : i32
      %dma_wait3A_121 = arith.constant 0 : i32
      %dma_wait3A_122 = tpu.memref_slice %arg0[%mul3A_113, %dma_wait3A_120, %dma_wait3A_121] : memref<768x384x384xf32, #tpu.memory_space<any>> -> memref<8x384x384xf32, #tpu.memory_space<any>>
      tpu.wait_dma2 semaphore(%dma_wait3A_114 : memref<!tpu.dma_semaphore, #tpu.memory_space<semaphore_mem>>) src(%dma_wait3A_122 : memref<8x384x384xf32, #tpu.memory_space<any>>) dst(%dma_wait3A_119 : memref<8x384x384xf32, #tpu.memory_space<vmem>>)
      %get3A = arith.index_cast %rem3A_106 : i32 to index
      %get3A_123 = arith.constant 0 : index
      %get3A_124 = arith.constant 0 : index
      %get3A_125 = arith.constant 0 : index
      %get3A_126 = vector.load %arg2[%get3A, %get3A_123, %get3A_124, %get3A_125] : memref<8x8x384x384xf32, #tpu.memory_space<vmem>>, vector<1x8x384x384xf32>
      %get3A_127 = vector.shape_cast %get3A_126 : vector<1x8x384x384xf32> to vector<8x384x384xf32>
      %reduce_sum3A = arith.constant dense<0.000000e+00> : vector<8xf32>
      %reduce_sum3A_128 = vector.multi_reduction <add>, %get3A_127, %reduce_sum3A [1, 2] : vector<8x384x384xf32> to vector<8xf32>
      %broadcast_in_dim3A = vector.shape_cast %reduce_sum3A_128 : vector<8xf32> to vector<8x1x1xf32>
      %mul3A_129 = arith.constant 8 : i32
      %mul3A_130 = arith.muli %add3A_104, %mul3A_129 : i32
      %swap3A = arith.index_cast %mul3A_130 : i32 to index
      %swap3A_131 = arith.constant 0 : index
      %swap3A_132 = arith.constant 0 : index
      %swap3A_133 = vector.load %arg1[%swap3A, %swap3A_131, %swap3A_132] : memref<576x1x1xf32, #tpu.memory_space<vmem>>, vector<8x1x1xf32>
      tpu.vector_store %arg1[%swap3A, %swap3A_131, %swap3A_132], %broadcast_in_dim3A {strides = array<i32>} : memref<576x1x1xf32, #tpu.memory_space<vmem>>, vector<8x1x1xf32>,
      %add3A_134 = arith.constant 1 : i32
      %add3A_135 = arith.addi %add3A_102, %add3A_134 : i32
      %rem3A_136 = arith.constant 8 : i32
      %rem3A_137 = arith.remsi %add3A_135, %rem3A_136 : i32
      %add3A_138 = arith.constant 8 : i32
      %add3A_139 = arith.addi %add3A_135, %add3A_138 : i32
      %sub3A_140 = arith.constant 1 : i32
      %sub3A_141 = arith.subi %add3A_139, %sub3A_140 : i32
      %lt3A_142 = arith.constant 72 : i32
      %lt3A_143 = arith.cmpi slt, %sub3A_141, %lt3A_142 : i32
      %convert_element_type3A_144 = arith.extui %lt3A_143 : i1 to i32
      %cond3A_145 = arith.constant 0 : i32
      %cond3A_146 = arith.cmpi ne, %convert_element_type3A_144, %cond3A_145 : i32
      scf.if %cond3A_146 {
        %rem3A_174 = arith.constant 8 : i32
        %rem3A_175 = arith.remsi %sub3A_141, %rem3A_174 : i32
        %mul3A_176 = arith.constant 8 : i32
        %mul3A_177 = arith.muli %sub3A_141, %mul3A_176 : i32
        %dma_start3A_178 = tpu.memref_slice %arg3[%rem3A_175] : memref<8x!tpu.dma_semaphore, #tpu.memory_space<semaphore_mem>> -> memref<1x!tpu.dma_semaphore, #tpu.memory_space<semaphore_mem>>
        %dma_start3A_179 = tpu.memref_squeeze %dma_start3A_178 : memref<1x!tpu.dma_semaphore, #tpu.memory_space<semaphore_mem>> -> memref<!tpu.dma_semaphore, #tpu.memory_space<semaphore_mem>>
        %dma_start3A_180 = arith.constant 0 : i32
        %dma_start3A_181 = arith.constant 0 : i32
        %dma_start3A_182 = arith.constant 0 : i32
        %dma_start3A_183 = tpu.memref_slice %arg2[%rem3A_175, %dma_start3A_180, %dma_start3A_181, %dma_start3A_182] : memref<8x8x384x384xf32, #tpu.memory_space<vmem>> -> memref<1x8x384x384xf32, #tpu.memory_space<vmem>>
        %dma_start3A_184 = tpu.memref_squeeze %dma_start3A_183 : memref<1x8x384x384xf32, #tpu.memory_space<vmem>> -> memref<8x384x384xf32, #tpu.memory_space<vmem>>
        %dma_start3A_185 = arith.constant 0 : i32
        %dma_start3A_186 = arith.constant 0 : i32
        %dma_start3A_187 = tpu.memref_slice %arg0[%mul3A_177, %dma_start3A_185, %dma_start3A_186] : memref<768x384x384xf32, #tpu.memory_space<any>> -> memref<8x384x384xf32, #tpu.memory_space<any>>
        tpu.enqueue_dma source(%dma_start3A_187 : memref<8x384x384xf32, #tpu.memory_space<any>>) target(%dma_start3A_184 : memref<8x384x384xf32, #tpu.memory_space<vmem>>) target_semaphore(%dma_start3A_179 : memref<!tpu.dma_semaphore, #tpu.memory_space<semaphore_mem>>)
      } else {
      }
      %mul3A_147 = arith.constant 8 : i32
      %mul3A_148 = arith.muli %add3A_135, %mul3A_147 : i32
      %dma_wait3A_149 = tpu.memref_slice %arg3[%rem3A_137] : memref<8x!tpu.dma_semaphore, #tpu.memory_space<semaphore_mem>> -> memref<1x!tpu.dma_semaphore, #tpu.memory_space<semaphore_mem>>
      %dma_wait3A_150 = tpu.memref_squeeze %dma_wait3A_149 : memref<1x!tpu.dma_semaphore, #tpu.memory_space<semaphore_mem>> -> memref<!tpu.dma_semaphore, #tpu.memory_space<semaphore_mem>>
      %dma_wait3A_151 = arith.constant 0 : i32
      %dma_wait3A_152 = arith.constant 0 : i32
      %dma_wait3A_153 = arith.constant 0 : i32
      %dma_wait3A_154 = tpu.memref_slice %arg2[%rem3A_137, %dma_wait3A_151, %dma_wait3A_152, %dma_wait3A_153] : memref<8x8x384x384xf32, #tpu.memory_space<vmem>> -> memref<1x8x384x384xf32, #tpu.memory_space<vmem>>
      %dma_wait3A_155 = tpu.memref_squeeze %dma_wait3A_154 : memref<1x8x384x384xf32, #tpu.memory_space<vmem>> -> memref<8x384x384xf32, #tpu.memory_space<vmem>>
      %dma_wait3A_156 = arith.constant 0 : i32
      %dma_wait3A_157 = arith.constant 0 : i32
      %dma_wait3A_158 = tpu.memref_slice %arg0[%mul3A_148, %dma_wait3A_156, %dma_wait3A_157] : memref<768x384x384xf32, #tpu.memory_space<any>> -> memref<8x384x384xf32, #tpu.memory_space<any>>
      tpu.wait_dma2 semaphore(%dma_wait3A_150 : memref<!tpu.dma_semaphore, #tpu.memory_space<semaphore_mem>>) src(%dma_wait3A_158 : memref<8x384x384xf32, #tpu.memory_space<any>>) dst(%dma_wait3A_155 : memref<8x384x384xf32, #tpu.memory_space<vmem>>)
      %get3A_159 = arith.index_cast %rem3A_137 : i32 to index
      %get3A_160 = arith.constant 0 : index
      %get3A_161 = arith.constant 0 : index
      %get3A_162 = arith.constant 0 : index
      %get3A_163 = vector.load %arg2[%get3A_159, %get3A_160, %get3A_161, %get3A_162] : memref<8x8x384x384xf32, #tpu.memory_space<vmem>>, vector<1x8x384x384xf32>
      %get3A_164 = vector.shape_cast %get3A_163 : vector<1x8x384x384xf32> to vector<8x384x384xf32>
      %reduce_sum3A_165 = arith.constant dense<0.000000e+00> : vector<8xf32>
      %reduce_sum3A_166 = vector.multi_reduction <add>, %get3A_164, %reduce_sum3A_165 [1, 2] : vector<8x384x384xf32> to vector<8xf32>
      %broadcast_in_dim3A_167 = vector.shape_cast %reduce_sum3A_166 : vector<8xf32> to vector<8x1x1xf32>
      %mul3A_168 = arith.constant 8 : i32
      %mul3A_169 = arith.muli %add3A_135, %mul3A_168 : i32
      %swap3A_170 = arith.index_cast %mul3A_169 : i32 to index
      %swap3A_171 = arith.constant 0 : index
      %swap3A_172 = arith.constant 0 : index
      %swap3A_173 = vector.load %arg1[%swap3A_170, %swap3A_171, %swap3A_172] : memref<576x1x1xf32, #tpu.memory_space<vmem>>, vector<8x1x1xf32>
      tpu.vector_store %arg1[%swap3A_170, %swap3A_171, %swap3A_172], %broadcast_in_dim3A_167 {strides = array<i32>} : memref<576x1x1xf32, #tpu.memory_space<vmem>>, vector<8x1x1xf32>,
    }
    %scan3A_99 = arith.constant 36 : i32
    return
  }
}

module attributes {stable_mosaic.version = 14 : i64} {
  func.func @_proj_body(%arg0: memref<576x1xf32, #tpu.memory_space<vmem>>, %arg1: memref<192x16xf32, #tpu.memory_space<vmem>>, %arg2: memref<128x576xf32, #tpu.memory_space<vmem>>, %arg3: memref<128x192xf32, #tpu.memory_space<vmem>>, %arg4: memref<128x1xf32, #tpu.memory_space<vmem>>) attributes {dimension_semantics = [], scalar_prefetch = 0 : i64, scratch_operands = 0 : i64, tpu.core_type = #tpu.core_type<tc>} {
    %get3A = arith.constant 0 : index
    %get3A_0 = arith.constant 0 : index
    %get3A_1 = vector.load %arg0[%get3A, %get3A_0] : memref<576x1xf32, #tpu.memory_space<vmem>>, vector<576x1xf32>
    %mul3A = arith.constant 6.78168407E-6 : f32
    %mul3A_2 = vector.broadcast %mul3A : f32 to vector<576x1xf32>
    %mul3A_3 = arith.mulf %get3A_1, %mul3A_2 : vector<576x1xf32>
    %get3A_4 = arith.constant 0 : index
    %get3A_5 = arith.constant 0 : index
    %get3A_6 = vector.load %arg1[%get3A_4, %get3A_5] : memref<192x16xf32, #tpu.memory_space<vmem>>, vector<192x16xf32>
    %reduce_sum3A = arith.constant dense<0.000000e+00> : vector<192xf32>
    %reduce_sum3A_7 = vector.multi_reduction <add>, %get3A_6, %reduce_sum3A [1] : vector<192x16xf32> to vector<192xf32>
    %broadcast_in_dim3A = vector.shape_cast %reduce_sum3A_7 : vector<192xf32> to vector<192x1xf32>
    %mul3A_8 = arith.constant 6.78168407E-6 : f32
    %mul3A_9 = vector.broadcast %mul3A_8 : f32 to vector<192x1xf32>
    %mul3A_10 = arith.mulf %broadcast_in_dim3A, %mul3A_9 : vector<192x1xf32>
    %get3A_11 = arith.constant 0 : index
    %get3A_12 = arith.constant 0 : index
    %get3A_13 = vector.load %arg2[%get3A_11, %get3A_12] : memref<128x576xf32, #tpu.memory_space<vmem>>, vector<128x576xf32>
    %dot_general3A = arith.constant dense<0.000000e+00> : vector<128x1xf32>
    %dot_general3A_14 = tpu.matmul %get3A_13, %mul3A_3, %dot_general3A {dimension_numbers = #tpu.dot_dimension_numbers<[1], [0], [0], [1], [0, 0, 1, 1], [], []>, transpose_lhs_hint = false} : vector<128x576xf32>, vector<576x1xf32>, vector<128x1xf32> -> vector<128x1xf32>
    %get3A_15 = arith.constant 0 : index
    %get3A_16 = arith.constant 0 : index
    %get3A_17 = vector.load %arg3[%get3A_15, %get3A_16] : memref<128x192xf32, #tpu.memory_space<vmem>>, vector<128x192xf32>
    %dot_general3A_18 = arith.constant dense<0.000000e+00> : vector<128x1xf32>
    %dot_general3A_19 = tpu.matmul %get3A_17, %mul3A_10, %dot_general3A_18 {dimension_numbers = #tpu.dot_dimension_numbers<[1], [0], [0], [1], [0, 0, 1, 1], [], []>, transpose_lhs_hint = false} : vector<128x192xf32>, vector<192x1xf32>, vector<128x1xf32> -> vector<128x1xf32>
    %add3A = arith.addf %dot_general3A_14, %dot_general3A_19 : vector<128x1xf32>
    %swap3A = arith.constant 0 : index
    %swap3A_20 = arith.constant 0 : index
    %swap3A_21 = vector.load %arg4[%swap3A, %swap3A_20] : memref<128x1xf32, #tpu.memory_space<vmem>>, vector<128x1xf32>
    tpu.vector_store %arg4[%swap3A, %swap3A_20], %add3A {strides = array<i32>} : memref<128x1xf32, #tpu.memory_space<vmem>>, vector<128x1xf32>,
    return
  }
}

</mosaic_0001>

<sc_bundles>
// kernel: kernel.5.cloned.1.call-start
scs
__scs_entry_jumppad:
0x0: {  	(pc) =	sbr.rel $0x88, $3  }
0x1: {  	(tag) =	ssettag $0x0;
	lr =	simm.s32 $0x1  }
0x2: {  	[smem:$0x3F9F] =	sst lr;
	_ =	strace $0xD0000000  }
0x3: {  	_ = 	snop  }
0x4: {  	_ = 	snop  }
0x5: {  	_ = 	snop  }
0x6: {  	_ = 	snop  }
0x7: {  	_ = 	snop  }
__scs_overlays_trampoline_lowered:
0x8: {  	[smem:$0x3FAE] =	sst s0  }
0x9: {  	[smem:$0x3FAF] =	sst s1  }
0xa: {  	[smem:$0x3FB0] =	sst s2  }
0xb: {  	[smem:$0x3FB1] =	sst s3  }
0xc: {  	[smem:$0x3FB2] =	sst s4  }
0xd: {  	[smem:$0x3FB3] =	sst s5  }
0xe: {  	[smem:$0x3FB4] =	sst s6  }
0xf: {  	[smem:$0x3FB5] =	sst s7  }
0x10: {  	[smem:$0x3FB6] =	sst s8  }
0x11: {  	[smem:$0x3FB7] =	sst s9;
	s0 =	simm.s32 @!p0 $0x0  }
0x12: {  	s1 =	sld [smem:$0x3F9D];
	s0 =	simm.s32 @p0 $0x1  }
0x13: {  	[smem:$0x3FB8] =	sst s0;
	s0 =	simm.s32 @!p1 $0x0  }
0x14: {  	s2 =	sld [smem:$0x3F9C];
	s0 =	simm.s32 @p1 $0x1  }
0x15: {  	[smem:$0x3FB9] =	sst s0;
	s0 =	simm.s32 @!p2 $0x0  }
0x16: {  	s3 =	sld [smem:$0x3FDB];
	s0 =	simm.s32 @p2 $0x1  }
0x17: {  	s4 =	simm.s32 $0x1BF5;
	[smem:$0x3FBB] =	sst s0  }
0x18: {  	s0 =	sld [smem:$0x3F9E];
	_ =	swait.ge [sflag:s4], $0x0  }
0x19: {  	s7 =	sld [smem:$0x3F9F]  }
0x1a: {  	s8 =	sadd.s32 $0xFFFFE003, lr  }
0x1b: {  	s9 =	sadd.s32 $0xFFFFFEF7, lr;
	s5 =	simm.s32 $0xFFFFFFFF;
	p2 =	slt.u32 s8, $0xFFFFF086  }
0x1c: {  	p1 =	slt.u32 s9, $0xF7A;
	s5 =	simm.s32 @!p2 $0x0  }
0x1d: {  	s5 =	simm.s32 @p1 $0x1;
	p0 =	seq.s32 s7, s2  }
0x1e: {  	s7 =	smul.u32 @!p0 $0xF7A, s2;
	p2 =	seq.s32 @!p0 s5, $0x0  }
0x1f: {  	s9 =	smul.u32 $0xF7A, s1;
	s8 =	simm.s32 @!p0 $0x1BF5;
	p2 =	por !p2, p0  }
0x20: {  	[sflag:s8] =	ssyncset.s32 @!p0 $0xFFFFF086;
	s6 =	sadd.s32 @!p0 s3, s7;
	s7 =	simm.s32 @!p0 $0x108  }
0x21: {  	s3 =	sadd.s32 s3, s9;
	s6 =	sadd.s32 @!p0 $0x88, s6;
	s7 =	simm.s32 @p2 $0x1082  }
0x22: {  	[simem:s7], [sflag:s8] =	dma.local @!p0 [hbm:s6], $0xF7A  }
0x23: {  	s9 =	sor.u32 $0xD0000000, s2;
	s6 =	simm.s32 $0x108;
	_ =	swait.ge @!p0 [sflag:s8], $0x0  }
0x24: {  	s3 =	sadd.s32 $0x88, s3;
	s6 =	simm.s32 @!p1 $0x1082;
	[sflag:s4] =	ssyncset.s32 $0xFFFFF086  }
0x25: {  	[simem:s6], [sflag:s4] =	dma.local [hbm:s3], $0xF7A  }
0x26: {  	[smem:$0x3F9F] =	sst s1;
	(tag) =	ssettag s2;
	_ =	strace s9  }
0x27: {  	s1 =	sld [smem:$0x3FAF]  }
0x28: {  	s2 =	sld [smem:$0x3FB0]  }
0x29: {  	s4 =	sld [smem:$0x3FB2]  }
0x2a: {  	p0 =	seq.s32 s5, $0x0;
	s5 =	sld [smem:$0x3FB3]  }
0x2b: {  	s6 =	sld [smem:$0x3FB4]  }
0x2c: {  	s7 =	sld [smem:$0x3FB5]  }
0x2d: {  	s3 =	simm.s32 $0x108;
	s8 =	sld [smem:$0x3FB6]  }
0x2e: {  	s3 =	simm.s32 @!p0 $0x1082;
	s9 =	sld [smem:$0x3FB7]  }
0x2f: {  	lr =	sadd.s32 s0, s3;
	s0 =	sld [smem:$0x3FAE]  }
0x30: {  	s3 =	sld [smem:$0x3FB1]  }
0x31: {  	[smem:$0x3FBA] =	sst s10  }
0x32: {  	s10 =	sld [smem:$0x3FB8];
	_ =	sdelay $0x3  }
0x33: {  	p0 =	seq.s32 s10, $0x1;
	s10 =	sld [smem:$0x3FBA];
	_ =	sdelay $0x3  }
0x34: {  	[smem:$0x3FBA] =	sst s10  }
0x35: {  	s10 =	sld [smem:$0x3FB9];
	_ =	sdelay $0x3  }
0x36: {  	p1 =	seq.s32 s10, $0x1;
	s10 =	sld [smem:$0x3FBA];
	_ =	sdelay $0x3  }
0x37: {  	[smem:$0x3FBA] =	sst s10  }
0x38: {  	s10 =	sld [smem:$0x3FBB]  }
0x39: {  	_ = 	snop;
	(pc) =	sbr.ind lr, $3  }
0x3a: {  	_ = 	snop  }
0x3b: {  	_ = 	snop  }
0x3c: {  	p2 =	seq.s32 s10, $0x1;
	s10 =	sld [smem:$0x3FBA]  }
0x3d: {  	_ =	shalt  }
0x3e: {  	_ =	shalt  }
0x3f: {  	_ =	shalt  }
0x40: {  	_ =	shalt  }
0x41: {  	_ =	shalt  }
0x42: {  	_ =	shalt  }
0x43: {  	_ =	shalt  }
0x44: {  	_ =	shalt  }
0x45: {  	_ =	shalt  }
0x46: {  	_ =	shalt  }
0x47: {  	_ =	shalt  }
0x48: {  	_ =	shalt  }
0x49: {  	_ =	shalt  }
0x4a: {  	_ =	shalt  }
0x4b: {  	_ =	shalt  }
0x4c: {  	_ =	shalt  }
0x4d: {  	_ =	shalt  }
0x4e: {  	_ =	shalt  }
0x4f: {  	_ =	shalt  }
0x50: {  	_ =	shalt  }
0x51: {  	_ =	shalt  }
0x52: {  	_ =	shalt  }
0x53: {  	_ =	shalt  }
0x54: {  	_ =	shalt  }
0x55: {  	_ =	shalt  }
0x56: {  	_ =	shalt  }
0x57: {  	_ =	shalt  }
0x58: {  	_ =	shalt  }
0x59: {  	_ =	shalt  }
0x5a: {  	_ =	shalt  }
0x5b: {  	_ =	shalt  }
0x5c: {  	_ =	shalt  }
0x5d: {  	_ =	shalt  }
0x5e: {  	_ =	shalt  }
0x5f: {  	_ =	shalt  }
0x60: {  	_ =	shalt  }
0x61: {  	_ =	shalt  }
0x62: {  	_ =	shalt  }
0x63: {  	_ =	shalt  }
0x64: {  	_ =	shalt  }
0x65: {  	_ =	shalt  }
0x66: {  	_ =	shalt  }
0x67: {  	_ =	shalt  }
0x68: {  	_ =	shalt  }
0x69: {  	_ =	shalt  }
0x6a: {  	_ =	shalt  }
0x6b: {  	_ =	shalt  }
0x6c: {  	_ =	shalt  }
0x6d: {  	_ =	shalt  }
0x6e: {  	_ =	shalt  }
0x6f: {  	_ =	shalt  }
0x70: {  	_ =	shalt  }
0x71: {  	_ =	shalt  }
0x72: {  	_ =	shalt  }
0x73: {  	_ =	shalt  }
0x74: {  	_ =	shalt  }
0x75: {  	_ =	shalt  }
0x76: {  	_ =	shalt  }
0x77: {  	_ =	shalt  }
0x78: {  	_ =	shalt  }
0x79: {  	_ =	shalt  }
0x7a: {  	_ =	shalt  }
0x7b: {  	_ =	shalt  }
0x7c: {  	_ =	shalt  }
0x7d: {  	_ =	shalt  }
0x7e: {  	_ =	shalt  }
0x7f: {  	_ =	shalt  }
0x80: {  	_ =	shalt  }
0x81: {  	_ =	shalt  }
0x82: {  	_ =	shalt  }
0x83: {  	_ =	shalt  }
0x84: {  	_ =	shalt  }
0x85: {  	_ =	shalt  }
0x86: {  	_ =	shalt  }
0x87: {  	_ =	shalt  }
.Lfunc_end0:
.L_simem_size_0:
called_computation_lowered:
.L_overlay_start_0:
0x88: {  	s2 =	sld [smem:$0x3FD9]  }
0x89: {  	s3 =	sld [smem:$0x3FFE];
	_ =	sdelay $0x1  }
0x8a: {  	s1 =	srdreg.scid  }
0x8b: {  	s0 =	sand.u32 $0x1, s1  }
0x8c: {  	s17 =	sshll.u32 s0, $0xA;
	s2 =	sadd.s32 s3, s2  }
0x8d: {  	s2 =	sadd.s32 s2, s17  }
0x8e: {  	[smem:$0x3FC6] =	sst s2  }
0x8f: {  	_ = 	snop  }
0x90: {  	s2 =	sld [smem:$0x3FC9];
	(tm) =	ssettm $0x1  }
0x91: {  	s18 =	sld [smem:$0x3FFB];
	_ =	sdelay $0x3  }
0x92: {  	_ =	strace s18  }
0x93: {  	s3 =	sld [smem:$0x3FFC];
	_ =	sdelay $0x3  }
0x94: {  	_ =	strace s3  }
0x95: {  	s3 =	sld [smem:$0x3FFD];
	_ =	sdelay $0x3  }
0x96: {  	_ =	strace s3  }
0x97: {  	_ =	strace $0x8FFFFFFF  }
0x98: {  	s19 =	sld [smem:$0x3FDB];
	_ =	sdelay $0x1  }
0x99: {  	s4 =	simm.s32 $_scs_section_size  }
0x9a: {  	s5 =	simm.s32 $_size__tile_overlayer_lowered;
	s6 =	simm.s32 $_tile_overlayer_lowered  }
0x9b: {  	s22 =	simm.s32 $0x1BFF;
	s21 =	sshll.u32 s6, $0x1;
	s3 =	sadd.s32 s4, s19  }
0x9c: {  	s7 =	simm.s32 $0x0;
	s20 =	sshll.u32 s5, $0x1;
	s5 =	sadd.s32 s21, s3  }
0x9d: {  	[timem:s7], [sflag:s22] =	dma.local [hbm:s5], s20  }
0x9e: {  	_ =	swait.ge [sflag:s22], s20  }
0x9f: {  	s4 =	ssub.s32 $0x0, s20;
	[sflag:s22] =	ssyncset.done $0x0  }
0xa0: {  	[sflag:s22] =	ssyncadd.s32 s4;
	_ =	sdelay $0x1  }
0xa1: {  	s23 =	simm.s32 $0x1B8B  }
0xa2: {  	_ =	swait.ge [sflag:s23], $0x1  }
0xa3: {  	[sflag:s23] =	ssyncset.done $0x0  }
0xa4: {  	s25 =	simm.s32 $0x1B8E;
	s24 =	sld [smem:$0x3FFE];
	[sflag:s23] =	ssyncadd.s32 $0xFFFFFFFF  }
0xa5: {  	s26 =	simm.s32 $execute0_lowered;
	[smem:$0x3FD2] =	sst s25  }
0xa6: {  	s5 =	sshll.u32 s26, $0x1;
	_ =	strace $0x80000046;
	[dreg:$0x1] =	wrdreg $0xFFFFFFFF  }
0xa7: {  	s28 =	simm.s32 $_size_execute0_lowered;
	s3 =	sadd.s32 s3, s5;
	[dreg:$0x0] =	wrdreg $0x0  }
0xa8: {  	s5 =	sshll.u32 s28, $0x1;
	[dreg:$0x2] =	wrdreg s3  }
0xa9: {  	[dreg:$0x3] =	wrdreg s5  }
0xaa: {  	[dreg:$0x4] =	wrdreg $0xC0  }
0xab: {  	_ =	task [dreg:s7], $0x5FFFF  }
0xac: {  	[dreg:$0x1] =	wrdreg $0xFFFFFFFF  }
0xad: {  	[dreg:$0x0] =	wrdreg $0x60  }
0xae: {  	[dreg:$0x2] =	wrdreg s2  }
0xaf: {  	[dreg:$0x3] =	wrdreg s24  }
0xb0: {  	[dreg:$0x4] =	wrdreg $0x9  }
0xb1: {  	_ =	task.clear_ibuf [dreg:s7], $0x5FFFF;
	_ =	strace $0x90000046  }
0xb2: {  	s29 =	simm.s32 $0x9;
	_ =	strace $0x80000048  }
0xb3: {  	_ =	swait.ge [sflag:s29], $0x1  }
0xb4: {  	[sflag:s29] =	ssyncadd.s32 $0xFFFFFFFF  }
0xb5: {  	_ =	strace $0x90000048  }
0xb6: {  	_ =	sfence  }
0xb7: {  	s30 =	sld [smem:$0x0];
	_ =	sdelay $0x2  }
0xb8: {  	s31 =	sshll.u32 s1, $0xD;
	s1 =	sshrl.u32 s1, $0x2  }
0xb9: {  	s3 =	sand.u32 $0x4000, s31;
	s1 =	sadd.s32 s1, s30  }
0xba: {  	s0 =	sor.u32 s3, s0;
	s1 =	sshll.u32 s1, $0x11  }
0xbb: {  	s0 =	sor.u32 s1, s0  }
0xbc: {  	s0 =	sadd.s32 $0x8F2B, s0  }
0xbd: {  	[sflag:s0] =	ssyncadd.remote.s32 $0x1  }
0xbe: {  	_ =	sfence.sel $0xFFFF  }
0xbf: {  	[dreg:$0x0] =	wrdreg $0xFFFFFFFF;
	(pc) =	sbr.abs _section_cstart, $3  }
0xc0: {  	[dreg:$0x1] =	wrdreg $0xFFFFFFFF  }
0xc1: {  	_ =	task.clear_ibuf [dreg:s7], $0x2FFFF;
	_ =	strace $0x9FFFFFFF  }
0xc2: {  	(tm) =	ssettm $0x7FFFFFFF  }
0xc3: {  	_ =	shalt  }
tec
execute0_lowered:
.L_overlay_start_1:
0x0: {  	(tag) =	ssettag $0x1  }
0x1: {  	s1 =	srdreg.scid;
	s2 =	rddreg [dreg:$0x0]  }
0x2: {  	s0 =	stileid.u32;
	s6 =	rddreg [dreg:$0x1]  }
0x3: {  	s3 =	simm.s32 $0x0;
	s5 =	sand.u32 $0x1, s1;
	s30 =	sshll.u32 s0, $0x1  }
0x4: {  	s10 =	simm.s32 $0xC000;
	s11 =	simm.s32 $0x1;
	s4 =	sor.u32 s5, s30  }
0x5: {  	s12 =	simm.s32 $0x2;
	s13 =	simm.s32 $0x3;
	s7 =	smul.u32 $0x6, s4  }
0x6: {  	s14 =	simm.s32 $0x12000;
	s15 =	simm.s32 $0x4;
	s16 =	simm.s32 $0x0  }
0x7: {  	s1 =	rddreg [dreg:$0x2];
	s8 =	smul.u32 $0xC, s4;
	s4 =	sadd.s32 $0x240, s7  }
0x8: {  	[smem:$0x7FF] =	sst s3;
	s9 =	ssub.s32 $0x2, s5;
	s7 =	smul.u32 $0x4800, s4  }
0x9: {  	_ =	strace $0x80000047;
	s31 =	sshrl.u32 s9, $0x1;
	s8 =	sadd.s32 s8, s6  }
0xa: {  	s9 =	ssub.s32 s9, s31;
	s5 =	sadd.s32 s2, s7;
	s7 =	sadd.s32 $0x800, s8  }
0xb: {  	s8 =	smax.u32 s9, $0x1;
	s9 =	simm.s32 $0x6000;
	s6 =	sadd.s32 $0xC00, s5  }
.LBB2_1:
0xc: {  	[tilespmem:s3], [sflag:$0x1] =	stream.linear.gather [hbm4b:s5+s3], $0x6000, $0x38;
	[tilespmem:$0x12080] =	vst v63  }
0xd: {  	s17 =	simm.s32 $0x0  }
0xe: {  	[tilespmem:s9], [sflag:$0x2] =	stream.linear.gather [hbm4b:s6+s3], $0x6000, $0x38;
	[tilespmem:$0x12080] =	vst v63  }
.LBB2_2:
0xf: {  	s18 =	sadd.s32 s4, s17  }
0x10: {  	s18 =	smul.u32 $0x24000, s18;
	_ =	sdelay $0x1  }
0x11: {  	s18 =	sshrl.u32 s18, $0x3  }
0x12: {  	s18 =	sadd.s32 s2, s18  }
0x13: {  	s19 =	simm.s32 $0x0;
	s31 =	simm.s32 $0x0;
	s20 =	sadd.s32 $0x1800, s18  }
0x14: {  	[tilespmem:s10], [sflag:$0x3] =	stream.linear.gather [hbm4b:s20+s19], $0x6000, $0x38;
	[tilespmem:$0x12080] =	vst v63  }
0x15: {  	s20 =	smul.u32 $0x3000, s31  }
0x16: {  	_ =	swait.ge [sflag:s11], $0x6000  }
0x17: {  	s21 =	sand.u32 $0x380, s19;
	[sflag:s11] =	ssyncset.done $0x0;
	s20 =	sshra.s32 s20, $0x2  }
0x18: {  	[sflag:s11] =	ssyncadd.s32 $0xFFFFA000;
	s20 =	sor.u32 s21, s20  }
0x19: {  	v5 =	vld [tilespmem:s20+$0x800]  }
0x1a: {  	v9 =	vld [tilespmem:s20+$0x810]  }
0x1b: {  	v7 =	vld [tilespmem:s20+$0x820]  }
0x1c: {  	v11 =	vld [tilespmem:s20+$0x830]  }
0x1d: {  	v1 =	vld [tilespmem:s20+$0x840]  }
0x1e: {  	v3 =	vld [tilespmem:s20+$0x850]  }
0x1f: {  	v19 =	vld [tilespmem:s20+$0x400]  }
0x20: {  	v22 =	vld [tilespmem:s20+$0x410]  }
0x21: {  	v18 =	vld [tilespmem:s20+$0x420]  }
0x22: {  	v21 =	vld [tilespmem:s20+$0x430]  }
0x23: {  	v10 =	vld [tilespmem:s20+$0x0]  }
0x24: {  	v24 =	vld [tilespmem:s20+$0x10]  }
0x25: {  	v0 =	vimm.f32 $0.0e+00;
	v2 =	vimm.f32 $0.0e+00;
	v23 =	vld [tilespmem:s20+$0x20]  }
0x26: {  	v16 =	vimm.f32 $0.0e+00;
	v17 =	vimm.f32 $0.0e+00;
	v14 =	vimm.f32 $0.0e+00;
	v25 =	vld [tilespmem:s20+$0x30]  }
0x27: {  	v15 =	vimm.f32 $0.0e+00;
	v12 =	vimm.f32 $0.0e+00;
	v13 =	vimm.f32 $0.0e+00;
	s21 =	simm.s32 $0x1;
	v20 =	vld [tilespmem:s20+$0x440]  }
.LBB2_3:
0x28: {  	p0 =	sne.s32 s21, $0x3F;
	v4 =	vld [tilespmem:s20+$0x450]  }
0x29: {  	v6 =	vld [tilespmem:s20+$0x40]  }
0x2a: {  	v0 =	vadd.f32 v10, v0;
	v2 =	vadd.f32 v24, v2;
	v8 =	vld [tilespmem:s20+$0x50]  }
0x2b: {  	v10 =	vadd.f32 v23, v16;
	v16 =	vadd.f32 v25, v17;
	v23 =	vld [tilespmem:s20+$0x60]  }
0x2c: {  	s22 =	sshrl.u32 s21, $0x3;
	v0 =	vadd.f32 v19, v0;
	v2 =	vadd.f32 v22, v2;
	v24 =	vld [tilespmem:s20+$0x70]  }
0x2d: {  	s22 =	smul.u32 $0x3000, s22;
	v10 =	vadd.f32 v18, v10;
	v17 =	vadd.f32 v21, v16;
	v18 =	vld [tilespmem:s20+$0x460]  }
0x2e: {  	s19 =	sadd.s32 $0x80, s19;
	v0 =	vadd.f32 v5, v0;
	v2 =	vadd.f32 v9, v2;
	v19 =	vld [tilespmem:s20+$0x470]  }
0x2f: {  	s23 =	sand.u32 $0x380, s19;
	s22 =	sshra.s32 s22, $0x2;
	v16 =	vadd.f32 v7, v10;
	v17 =	vadd.f32 v11, v17;
	v10 =	vld [tilespmem:s20+$0x860]  }
0x30: {  	v6 =	vadd.f32 v6, v14;
	v7 =	vadd.f32 v8, v15;
	v8 =	vld [tilespmem:s20+$0x870];
	s20 =	sor.u32 s23, s22  }
0x31: {  	v11 =	vadd.f32 v23, v12;
	v5 =	vld [tilespmem:s20+$0x800];
	v12 =	vadd.f32 v24, v13  }
0x32: {  	v6 =	vadd.f32 v20, v6;
	v4 =	vadd.f32 v4, v7;
	v9 =	vld [tilespmem:s20+$0x810]  }
0x33: {  	v13 =	vadd.f32 v18, v11;
	v7 =	vld [tilespmem:s20+$0x820];
	v18 =	vadd.f32 v19, v12  }
0x34: {  	v14 =	vadd.f32 v1, v6;
	v15 =	vadd.f32 v3, v4;
	v11 =	vld [tilespmem:s20+$0x830]  }
0x35: {  	v12 =	vadd.f32 v10, v13;
	v1 =	vld [tilespmem:s20+$0x840];
	v13 =	vadd.f32 v8, v18  }
0x36: {  	v3 =	vld [tilespmem:s20+$0x850]  }
0x37: {  	v19 =	vld [tilespmem:s20+$0x400]  }
0x38: {  	v22 =	vld [tilespmem:s20+$0x410]  }
0x39: {  	v18 =	vld [tilespmem:s20+$0x420]  }
0x3a: {  	v21 =	vld [tilespmem:s20+$0x430]  }
.Ltmp0:
0x3b: {  	v10 =	vld [tilespmem:s20+$0x0];
	(pc) =	sbr.rel @p0 .LBB2_3-.Ltmp0, $4  }
0x3c: {  	v24 =	vld [tilespmem:s20+$0x10]  }
0x3d: {  	v23 =	vld [tilespmem:s20+$0x20]  }
0x3e: {  	v25 =	vld [tilespmem:s20+$0x30]  }
0x3f: {  	s21 =	sadd.s32 $0x1, s21;
	v20 =	vld [tilespmem:s20+$0x440]  }
0x40: {  	v26 =	vld [tilespmem:s20+$0x450]  }
0x41: {  	v27 =	vld [tilespmem:s20+$0x40]  }
0x42: {  	v28 =	vld [tilespmem:s20+$0x50]  }
0x43: {  	v29 =	vld [tilespmem:s20+$0x60]  }
0x44: {  	v30 =	vld [tilespmem:s20+$0x70]  }
0x45: {  	v31 =	vld [tilespmem:s20+$0x460]  }
0x46: {  	v32 =	vld [tilespmem:s20+$0x470]  }
0x47: {  	v33 =	vld [tilespmem:s20+$0x860];
	s30 =	sadd.s32 $0x2400, s18;
	s19 =	simm.s32 $0x0;
	s31 =	simm.s32 $0x0  }
0x48: {  	v34 =	vld [tilespmem:s20+$0x870];
	[tilespmem:s19], [sflag:$0x1] =	stream.linear.gather [hbm4b:s30+s19], $0x6000, $0x38  }
0x49: {  	s20 =	smul.u32 $0x3000, s31  }
0x4a: {  	_ =	swait.ge [sflag:s12], $0x6000  }
0x4b: {  	s21 =	sand.u32 $0x380, s19;
	[sflag:s12] =	ssyncset.done $0x0;
	s20 =	sshra.s32 s20, $0x2  }
0x4c: {  	[sflag:s12] =	ssyncadd.s32 $0xFFFFA000;
	s20 =	sor.u32 s21, s20  }
0x4d: {  	v4 =	vld [tilespmem:s20+$0x6800]  }
0x4e: {  	v8 =	vld [tilespmem:s20+$0x6810]  }
0x4f: {  	v6 =	vld [tilespmem:s20+$0x6820]  }
0x50: {  	v35 =	vadd.f32 v10, v0;
	v2 =	vadd.f32 v24, v2;
	v10 =	vld [tilespmem:s20+$0x6830]  }
0x51: {  	v16 =	vadd.f32 v23, v16;
	v17 =	vadd.f32 v25, v17;
	v0 =	vld [tilespmem:s20+$0x6840]  }
0x52: {  	v19 =	vadd.f32 v19, v35;
	v22 =	vadd.f32 v22, v2;
	v2 =	vld [tilespmem:s20+$0x6850]  }
0x53: {  	v18 =	vadd.f32 v18, v16;
	v23 =	vadd.f32 v21, v17;
	v21 =	vld [tilespmem:s20+$0x6400]  }
0x54: {  	v16 =	vadd.f32 v5, v19;
	v17 =	vadd.f32 v9, v22;
	v22 =	vld [tilespmem:s20+$0x6410]  }
0x55: {  	v5 =	vadd.f32 v27, v14;
	v24 =	vld [tilespmem:s20+$0x6430];
	v9 =	vadd.f32 v29, v12  }
0x56: {  	v12 =	vadd.f32 v30, v13;
	v25 =	vld [tilespmem:s20+$0x6010];
	v18 =	vadd.f32 v7, v18  }
0x57: {  	v7 =	vadd.f32 v28, v15;
	v19 =	vadd.f32 v11, v23;
	v23 =	vld [tilespmem:s20+$0x6420]  }
0x58: {  	v11 =	vld [tilespmem:s20+$0x6000];
	v5 =	vadd.f32 v20, v5;
	v9 =	vadd.f32 v31, v9  }
0x59: {  	v13 =	vadd.f32 v32, v12;
	v7 =	vadd.f32 v26, v7;
	v26 =	vld [tilespmem:s20+$0x6020]  }
0x5a: {  	v14 =	vadd.f32 v1, v5;
	v1 =	vld [tilespmem:s20+$0x6030];
	v12 =	vadd.f32 v33, v9  }
0x5b: {  	s21 =	simm.s32 $0x1;
	v20 =	vld [tilespmem:s20+$0x6440];
	v13 =	vadd.f32 v34, v13;
	v15 =	vadd.f32 v3, v7  }
.LBB2_5:
0x5c: {  	p0 =	sne.s32 s21, $0x3F;
	v3 =	vld [tilespmem:s20+$0x6450]  }
0x5d: {  	v5 =	vld [tilespmem:s20+$0x6040]  }
0x5e: {  	v7 =	vadd.f32 v11, v16;
	v9 =	vadd.f32 v25, v17;
	v11 =	vld [tilespmem:s20+$0x6050]  }
0x5f: {  	v16 =	vadd.f32 v26, v18;
	v1 =	vadd.f32 v1, v19;
	v25 =	vld [tilespmem:s20+$0x6060]  }
0x60: {  	s22 =	sshrl.u32 s21, $0x3;
	v7 =	vadd.f32 v21, v7;
	v9 =	vadd.f32 v22, v9;
	v26 =	vld [tilespmem:s20+$0x6070]  }
0x61: {  	s22 =	smul.u32 $0x3000, s22;
	v18 =	vadd.f32 v23, v16;
	v1 =	vadd.f32 v24, v1;
	v21 =	vld [tilespmem:s20+$0x6460]  }
0x62: {  	s19 =	sadd.s32 $0x80, s19;
	v16 =	vadd.f32 v4, v7;
	v17 =	vadd.f32 v8, v9;
	v22 =	vld [tilespmem:s20+$0x6470]  }
0x63: {  	s23 =	sand.u32 $0x380, s19;
	s22 =	sshra.s32 s22, $0x2;
	v18 =	vadd.f32 v6, v18;
	v19 =	vadd.f32 v10, v1;
	v1 =	vld [tilespmem:s20+$0x6860]  }
0x64: {  	v5 =	vadd.f32 v5, v14;
	v6 =	vadd.f32 v11, v15;
	v7 =	vld [tilespmem:s20+$0x6870];
	s20 =	sor.u32 s23, s22  }
0x65: {  	v9 =	vadd.f32 v25, v12;
	v4 =	vld [tilespmem:s20+$0x6800];
	v10 =	vadd.f32 v26, v13  }
0x66: {  	v5 =	vadd.f32 v20, v5;
	v3 =	vadd.f32 v3, v6;
	v8 =	vld [tilespmem:s20+$0x6810]  }
0x67: {  	v9 =	vadd.f32 v21, v9;
	v6 =	vld [tilespmem:s20+$0x6820];
	v11 =	vadd.f32 v22, v10  }
0x68: {  	v14 =	vadd.f32 v0, v5;
	v15 =	vadd.f32 v2, v3;
	v10 =	vld [tilespmem:s20+$0x6830]  }
0x69: {  	v12 =	vadd.f32 v1, v9;
	v0 =	vld [tilespmem:s20+$0x6840];
	v13 =	vadd.f32 v7, v11  }
0x6a: {  	v2 =	vld [tilespmem:s20+$0x6850]  }
0x6b: {  	v21 =	vld [tilespmem:s20+$0x6400]  }
0x6c: {  	v22 =	vld [tilespmem:s20+$0x6410]  }
0x6d: {  	v23 =	vld [tilespmem:s20+$0x6420]  }
0x6e: {  	v24 =	vld [tilespmem:s20+$0x6430]  }
.Ltmp1:
0x6f: {  	v11 =	vld [tilespmem:s20+$0x6000];
	(pc) =	sbr.rel @p0 .LBB2_5-.Ltmp1, $4  }
0x70: {  	v25 =	vld [tilespmem:s20+$0x6010]  }
0x71: {  	v26 =	vld [tilespmem:s20+$0x6020]  }
0x72: {  	v1 =	vld [tilespmem:s20+$0x6030]  }
0x73: {  	s21 =	sadd.s32 $0x1, s21;
	v20 =	vld [tilespmem:s20+$0x6440]  }
0x74: {  	v27 =	vld [tilespmem:s20+$0x6450]  }
0x75: {  	v28 =	vld [tilespmem:s20+$0x6040]  }
0x76: {  	v29 =	vld [tilespmem:s20+$0x6050]  }
0x77: {  	v30 =	vld [tilespmem:s20+$0x6060]  }
0x78: {  	v31 =	vld [tilespmem:s20+$0x6070]  }
0x79: {  	v32 =	vld [tilespmem:s20+$0x6460]  }
0x7a: {  	v33 =	vld [tilespmem:s20+$0x6470]  }
0x7b: {  	v34 =	vld [tilespmem:s20+$0x6860];
	s30 =	sadd.s32 $0x3000, s18;
	s19 =	simm.s32 $0x0;
	s31 =	simm.s32 $0x0  }
0x7c: {  	v35 =	vld [tilespmem:s20+$0x6870];
	[tilespmem:s9], [sflag:$0x2] =	stream.linear.gather [hbm4b:s30+s19], $0x6000, $0x38  }
0x7d: {  	s20 =	smul.u32 $0x3000, s31  }
0x7e: {  	_ =	swait.ge [sflag:s13], $0x6000  }
0x7f: {  	s21 =	sand.u32 $0x380, s19;
	[sflag:s13] =	ssyncset.done $0x0;
	s20 =	sshra.s32 s20, $0x2  }
0x80: {  	[sflag:s13] =	ssyncadd.s32 $0xFFFFA000;
	s20 =	sor.u32 s21, s20  }
0x81: {  	v5 =	vld [tilespmem:s20+$0xC800]  }
0x82: {  	v9 =	vld [tilespmem:s20+$0xC810]  }
0x83: {  	v7 =	vld [tilespmem:s20+$0xC820]  }
0x84: {  	v3 =	vadd.f32 v11, v16;
	v16 =	vadd.f32 v25, v17;
	v11 =	vld [tilespmem:s20+$0xC830]  }
0x85: {  	v17 =	vadd.f32 v26, v18;
	v18 =	vadd.f32 v1, v19;
	v1 =	vld [tilespmem:s20+$0xC840]  }
0x86: {  	v19 =	vadd.f32 v21, v3;
	v22 =	vadd.f32 v22, v16;
	v3 =	vld [tilespmem:s20+$0xC850]  }
0x87: {  	v23 =	vadd.f32 v23, v17;
	v24 =	vadd.f32 v24, v18;
	v21 =	vld [tilespmem:s20+$0xC400]  }
0x88: {  	v16 =	vadd.f32 v4, v19;
	v17 =	vadd.f32 v8, v22;
	v22 =	vld [tilespmem:s20+$0xC410]  }
0x89: {  	v4 =	vadd.f32 v28, v14;
	v8 =	vadd.f32 v30, v12;
	v25 =	vld [tilespmem:s20+$0xC010]  }
0x8a: {  	v12 =	vadd.f32 v31, v13;
	v26 =	vld [tilespmem:s20+$0xC020];
	v18 =	vadd.f32 v6, v23  }
0x8b: {  	v23 =	vld [tilespmem:s20+$0xC420];
	v6 =	vadd.f32 v29, v15;
	v19 =	vadd.f32 v10, v24  }
0x8c: {  	v24 =	vld [tilespmem:s20+$0xC430];
	v4 =	vadd.f32 v20, v4;
	v8 =	vadd.f32 v32, v8  }
0x8d: {  	v10 =	vld [tilespmem:s20+$0xC000];
	v13 =	vadd.f32 v33, v12;
	v6 =	vadd.f32 v27, v6  }
0x8e: {  	v14 =	vadd.f32 v0, v4;
	v0 =	vld [tilespmem:s20+$0xC030];
	v12 =	vadd.f32 v34, v8  }
0x8f: {  	s21 =	simm.s32 $0x1;
	v20 =	vld [tilespmem:s20+$0xC440];
	v13 =	vadd.f32 v35, v13;
	v15 =	vadd.f32 v2, v6  }
.LBB2_7:
0x90: {  	p0 =	sne.s32 s21, $0x3F;
	v2 =	vld [tilespmem:s20+$0xC450]  }
0x91: {  	v4 =	vld [tilespmem:s20+$0xC040]  }
0x92: {  	v6 =	vadd.f32 v10, v16;
	v8 =	vadd.f32 v25, v17;
	v10 =	vld [tilespmem:s20+$0xC050]  }
0x93: {  	v16 =	vadd.f32 v26, v18;
	v0 =	vadd.f32 v0, v19;
	v25 =	vld [tilespmem:s20+$0xC060]  }
0x94: {  	s22 =	sshrl.u32 s21, $0x3;
	v6 =	vadd.f32 v21, v6;
	v8 =	vadd.f32 v22, v8;
	v26 =	vld [tilespmem:s20+$0xC070]  }
0x95: {  	s22 =	smul.u32 $0x3000, s22;
	v18 =	vadd.f32 v23, v16;
	v0 =	vadd.f32 v24, v0;
	v21 =	vld [tilespmem:s20+$0xC460]  }
0x96: {  	s19 =	sadd.s32 $0x80, s19;
	v16 =	vadd.f32 v5, v6;
	v17 =	vadd.f32 v9, v8;
	v22 =	vld [tilespmem:s20+$0xC470]  }
0x97: {  	s23 =	sand.u32 $0x380, s19;
	s22 =	sshra.s32 s22, $0x2;
	v18 =	vadd.f32 v7, v18;
	v19 =	vadd.f32 v11, v0;
	v0 =	vld [tilespmem:s20+$0xC860]  }
0x98: {  	v4 =	vadd.f32 v4, v14;
	v6 =	vadd.f32 v10, v15;
	v8 =	vld [tilespmem:s20+$0xC870];
	s20 =	sor.u32 s23, s22  }
0x99: {  	v10 =	vadd.f32 v25, v12;
	v5 =	vld [tilespmem:s20+$0xC800];
	v11 =	vadd.f32 v26, v13  }
0x9a: {  	v4 =	vadd.f32 v20, v4;
	v2 =	vadd.f32 v2, v6;
	v9 =	vld [tilespmem:s20+$0xC810]  }
0x9b: {  	v6 =	vadd.f32 v21, v10;
	v7 =	vld [tilespmem:s20+$0xC820];
	v10 =	vadd.f32 v22, v11  }
0x9c: {  	v14 =	vadd.f32 v1, v4;
	v15 =	vadd.f32 v3, v2;
	v11 =	vld [tilespmem:s20+$0xC830]  }
0x9d: {  	v12 =	vadd.f32 v0, v6;
	v1 =	vld [tilespmem:s20+$0xC840];
	v13 =	vadd.f32 v8, v10  }
0x9e: {  	v3 =	vld [tilespmem:s20+$0xC850]  }
0x9f: {  	v21 =	vld [tilespmem:s20+$0xC400]  }
0xa0: {  	v22 =	vld [tilespmem:s20+$0xC410]  }
0xa1: {  	v23 =	vld [tilespmem:s20+$0xC420]  }
0xa2: {  	v24 =	vld [tilespmem:s20+$0xC430]  }
.Ltmp2:
0xa3: {  	v10 =	vld [tilespmem:s20+$0xC000];
	(pc) =	sbr.rel @p0 .LBB2_7-.Ltmp2, $4  }
0xa4: {  	v25 =	vld [tilespmem:s20+$0xC010]  }
0xa5: {  	v26 =	vld [tilespmem:s20+$0xC020]  }
0xa6: {  	v0 =	vld [tilespmem:s20+$0xC030]  }
0xa7: {  	s21 =	sadd.s32 $0x1, s21;
	v20 =	vld [tilespmem:s20+$0xC440]  }
0xa8: {  	v27 =	vld [tilespmem:s20+$0xC450]  }
0xa9: {  	v28 =	vld [tilespmem:s20+$0xC040]  }
0xaa: {  	v29 =	vld [tilespmem:s20+$0xC050]  }
0xab: {  	v30 =	vld [tilespmem:s20+$0xC060]  }
0xac: {  	v31 =	vld [tilespmem:s20+$0xC070]  }
0xad: {  	v32 =	vld [tilespmem:s20+$0xC460]  }
0xae: {  	v33 =	vld [tilespmem:s20+$0xC470]  }
0xaf: {  	v34 =	vld [tilespmem:s20+$0xC860];
	s19 =	sadd.s32 $0x3C00, s18;
	s18 =	simm.s32 $0x0;
	s30 =	simm.s32 $0x0  }
0xb0: {  	v35 =	vld [tilespmem:s20+$0xC870];
	[tilespmem:s10], [sflag:$0x3] =	stream.linear.gather [hbm4b:s19+s18], $0x6000, $0x38  }
0xb1: {  	s19 =	smul.u32 $0x3000, s30  }
0xb2: {  	_ =	swait.ge [sflag:s11], $0x6000  }
0xb3: {  	s31 =	sand.u32 $0x380, s18;
	[sflag:s11] =	ssyncset.done $0x0;
	s19 =	sshra.s32 s19, $0x2  }
0xb4: {  	[sflag:s11] =	ssyncadd.s32 $0xFFFFA000;
	s20 =	sor.u32 s31, s19  }
0xb5: {  	v4 =	vld [tilespmem:s20+$0x800]  }
0xb6: {  	v8 =	vld [tilespmem:s20+$0x810]  }
0xb7: {  	v6 =	vld [tilespmem:s20+$0x820]  }
0xb8: {  	v2 =	vadd.f32 v10, v16;
	v16 =	vadd.f32 v25, v17;
	v10 =	vld [tilespmem:s20+$0x830]  }
0xb9: {  	v17 =	vadd.f32 v26, v18;
	v18 =	vadd.f32 v0, v19;
	v0 =	vld [tilespmem:s20+$0x840]  }
0xba: {  	v19 =	vadd.f32 v21, v2;
	v22 =	vadd.f32 v22, v16;
	v2 =	vld [tilespmem:s20+$0x850]  }
0xbb: {  	v23 =	vadd.f32 v23, v17;
	v24 =	vadd.f32 v24, v18;
	v21 =	vld [tilespmem:s20+$0x400]  }
0xbc: {  	v16 =	vadd.f32 v5, v19;
	v17 =	vadd.f32 v9, v22;
	v22 =	vld [tilespmem:s20+$0x410]  }
0xbd: {  	v5 =	vadd.f32 v28, v14;
	v9 =	vadd.f32 v30, v12;
	v25 =	vld [tilespmem:s20+$0x10]  }
0xbe: {  	v12 =	vadd.f32 v31, v13;
	v26 =	vld [tilespmem:s20+$0x20];
	v18 =	vadd.f32 v7, v23  }
0xbf: {  	v23 =	vld [tilespmem:s20+$0x420];
	v7 =	vadd.f32 v29, v15;
	v19 =	vadd.f32 v11, v24  }
0xc0: {  	v24 =	vld [tilespmem:s20+$0x430];
	v5 =	vadd.f32 v20, v5;
	v9 =	vadd.f32 v32, v9  }
0xc1: {  	v11 =	vld [tilespmem:s20+$0x0];
	v13 =	vadd.f32 v33, v12;
	v7 =	vadd.f32 v27, v7  }
0xc2: {  	v14 =	vadd.f32 v1, v5;
	v1 =	vld [tilespmem:s20+$0x30];
	v12 =	vadd.f32 v34, v9  }
0xc3: {  	s19 =	simm.s32 $0x1;
	v20 =	vld [tilespmem:s20+$0x440];
	v13 =	vadd.f32 v35, v13;
	v15 =	vadd.f32 v3, v7  }
.LBB2_9:
0xc4: {  	p0 =	sne.s32 s19, $0x3F;
	v3 =	vld [tilespmem:s20+$0x450]  }
0xc5: {  	v5 =	vld [tilespmem:s20+$0x40]  }
0xc6: {  	v7 =	vadd.f32 v11, v16;
	v9 =	vadd.f32 v25, v17;
	v11 =	vld [tilespmem:s20+$0x50]  }
0xc7: {  	v16 =	vadd.f32 v26, v18;
	v1 =	vadd.f32 v1, v19;
	v25 =	vld [tilespmem:s20+$0x60]  }
0xc8: {  	s21 =	sshrl.u32 s19, $0x3;
	v7 =	vadd.f32 v21, v7;
	v9 =	vadd.f32 v22, v9;
	v26 =	vld [tilespmem:s20+$0x70]  }
0xc9: {  	s21 =	smul.u32 $0x3000, s21;
	v18 =	vadd.f32 v23, v16;
	v1 =	vadd.f32 v24, v1;
	v21 =	vld [tilespmem:s20+$0x460]  }
0xca: {  	s18 =	sadd.s32 $0x80, s18;
	v16 =	vadd.f32 v4, v7;
	v17 =	vadd.f32 v8, v9;
	v22 =	vld [tilespmem:s20+$0x470]  }
0xcb: {  	s22 =	sand.u32 $0x380, s18;
	s21 =	sshra.s32 s21, $0x2;
	v18 =	vadd.f32 v6, v18;
	v19 =	vadd.f32 v10, v1;
	v1 =	vld [tilespmem:s20+$0x860]  }
0xcc: {  	v5 =	vadd.f32 v5, v14;
	v6 =	vadd.f32 v11, v15;
	v7 =	vld [tilespmem:s20+$0x870];
	s20 =	sor.u32 s22, s21  }
0xcd: {  	v9 =	vadd.f32 v25, v12;
	v4 =	vld [tilespmem:s20+$0x800];
	v10 =	vadd.f32 v26, v13  }
0xce: {  	v5 =	vadd.f32 v20, v5;
	v3 =	vadd.f32 v3, v6;
	v8 =	vld [tilespmem:s20+$0x810]  }
0xcf: {  	v9 =	vadd.f32 v21, v9;
	v6 =	vld [tilespmem:s20+$0x820];
	v11 =	vadd.f32 v22, v10  }
0xd0: {  	v14 =	vadd.f32 v0, v5;
	v15 =	vadd.f32 v2, v3;
	v10 =	vld [tilespmem:s20+$0x830]  }
0xd1: {  	v12 =	vadd.f32 v1, v9;
	v0 =	vld [tilespmem:s20+$0x840];
	v13 =	vadd.f32 v7, v11  }
0xd2: {  	v2 =	vld [tilespmem:s20+$0x850]  }
0xd3: {  	v21 =	vld [tilespmem:s20+$0x400]  }
0xd4: {  	v22 =	vld [tilespmem:s20+$0x410]  }
0xd5: {  	v23 =	vld [tilespmem:s20+$0x420]  }
0xd6: {  	v24 =	vld [tilespmem:s20+$0x430]  }
.Ltmp3:
0xd7: {  	v11 =	vld [tilespmem:s20+$0x0];
	(pc) =	sbr.rel @p0 .LBB2_9-.Ltmp3, $4  }
0xd8: {  	v25 =	vld [tilespmem:s20+$0x10]  }
0xd9: {  	v26 =	vld [tilespmem:s20+$0x20]  }
0xda: {  	v1 =	vld [tilespmem:s20+$0x30]  }
0xdb: {  	s19 =	sadd.s32 $0x1, s19;
	v20 =	vld [tilespmem:s20+$0x440]  }
0xdc: {  	v27 =	vld [tilespmem:s20+$0x450]  }
0xdd: {  	v28 =	vld [tilespmem:s20+$0x40]  }
0xde: {  	v29 =	vld [tilespmem:s20+$0x50]  }
0xdf: {  	v30 =	vld [tilespmem:s20+$0x60]  }
0xe0: {  	v31 =	vld [tilespmem:s20+$0x70];
	s18 =	sadd.s32 $0x1, s17;
	p0 =	seq.s32 s17, $0x5  }
0xe1: {  	v32 =	vld [tilespmem:s20+$0x460];
	s19 =	sadd.s32 @!p0 s4, s18  }
0xe2: {  	v33 =	vld [tilespmem:s20+$0x470];
	s21 =	smul.u32 @!p0 $0x4800, s19  }
0xe3: {  	v34 =	vld [tilespmem:s20+$0x860]  }
0xe4: {  	v35 =	vld [tilespmem:s20+$0x870];
	s31 =	simm.s32 $0x0;
	s20 =	sadd.s32 @!p0 s2, s21;
	s21 =	simm.s32 @!p0 $0x0  }
0xe5: {  	[tilespmem:s21], [sflag:$0x1] =	stream.linear.gather @!p0 [hbm4b:s20+s21], $0x6000, $0x38;
	[tilespmem:$0x12080] =	vst v63  }
0xe6: {  	s20 =	smul.u32 $0x3000, s31  }
0xe7: {  	s21 =	simm.s32 $0x0;
	_ =	swait.ge [sflag:s12], $0x6000  }
0xe8: {  	s22 =	sand.u32 $0x380, s21;
	[sflag:s12] =	ssyncset.done $0x0;
	s20 =	sshra.s32 s20, $0x2  }
0xe9: {  	[sflag:s12] =	ssyncadd.s32 $0xFFFFA000;
	s20 =	sor.u32 s22, s20  }
0xea: {  	v5 =	vld [tilespmem:s20+$0x6800]  }
0xeb: {  	v9 =	vld [tilespmem:s20+$0x6810]  }
0xec: {  	v7 =	vld [tilespmem:s20+$0x6820]  }
0xed: {  	v3 =	vadd.f32 v11, v16;
	v16 =	vadd.f32 v25, v17;
	v11 =	vld [tilespmem:s20+$0x6830]  }
0xee: {  	v17 =	vadd.f32 v26, v18;
	v18 =	vadd.f32 v1, v19;
	v1 =	vld [tilespmem:s20+$0x6840]  }
0xef: {  	v19 =	vadd.f32 v21, v3;
	v22 =	vadd.f32 v22, v16;
	v3 =	vld [tilespmem:s20+$0x6850]  }
0xf0: {  	v23 =	vadd.f32 v23, v17;
	v24 =	vadd.f32 v24, v18;
	v21 =	vld [tilespmem:s20+$0x6400]  }
0xf1: {  	v16 =	vadd.f32 v4, v19;
	v17 =	vadd.f32 v8, v22;
	v22 =	vld [tilespmem:s20+$0x6410]  }
0xf2: {  	v4 =	vadd.f32 v28, v14;
	v18 =	vadd.f32 v6, v23;
	v23 =	vld [tilespmem:s20+$0x6420]  }
0xf3: {  	v8 =	vadd.f32 v30, v12;
	v19 =	vadd.f32 v10, v24;
	v24 =	vld [tilespmem:s20+$0x6430]  }
0xf4: {  	v6 =	vadd.f32 v29, v15;
	v10 =	vadd.f32 v31, v13;
	v15 =	vld [tilespmem:s20+$0x6000]  }
0xf5: {  	v4 =	vadd.f32 v20, v4;
	v8 =	vadd.f32 v32, v8;
	v25 =	vld [tilespmem:s20+$0x6010]  }
0xf6: {  	v6 =	vadd.f32 v27, v6;
	v10 =	vadd.f32 v33, v10;
	v26 =	vld [tilespmem:s20+$0x6020]  }
0xf7: {  	v13 =	vadd.f32 v0, v4;
	v0 =	vld [tilespmem:s20+$0x6030];
	v8 =	vadd.f32 v34, v8  }
0xf8: {  	s22 =	simm.s32 $0x1;
	v20 =	vld [tilespmem:s20+$0x6440];
	v14 =	vadd.f32 v2, v6;
	v10 =	vadd.f32 v35, v10  }
.LBB2_11:
0xf9: {  	p1 =	sne.s32 s22, $0x3F;
	v2 =	vld [tilespmem:s20+$0x6450]  }
0xfa: {  	v4 =	vld [tilespmem:s20+$0x6040]  }
0xfb: {  	v6 =	vadd.f32 v15, v16;
	v12 =	vadd.f32 v25, v17;
	v15 =	vld [tilespmem:s20+$0x6050]  }
0xfc: {  	v16 =	vadd.f32 v26, v18;
	v0 =	vadd.f32 v0, v19;
	v25 =	vld [tilespmem:s20+$0x6060]  }
0xfd: {  	s23 =	sshrl.u32 s22, $0x3;
	v6 =	vadd.f32 v21, v6;
	v12 =	vadd.f32 v22, v12;
	v26 =	vld [tilespmem:s20+$0x6070]  }
0xfe: {  	s23 =	smul.u32 $0x3000, s23;
	v18 =	vadd.f32 v23, v16;
	v0 =	vadd.f32 v24, v0;
	v21 =	vld [tilespmem:s20+$0x6460]  }
0xff: {  	s21 =	sadd.s32 $0x80, s21;
	v16 =	vadd.f32 v5, v6;
	v17 =	vadd.f32 v9, v12;
	v22 =	vld [tilespmem:s20+$0x6470]  }
0x100: {  	s24 =	sand.u32 $0x380, s21;
	s23 =	sshra.s32 s23, $0x2;
	v18 =	vadd.f32 v7, v18;
	v19 =	vadd.f32 v11, v0;
	v0 =	vld [tilespmem:s20+$0x6860]  }
0x101: {  	v4 =	vadd.f32 v4, v13;
	v6 =	vadd.f32 v15, v14;
	v12 =	vld [tilespmem:s20+$0x6870];
	s20 =	sor.u32 s24, s23  }
0x102: {  	v8 =	vadd.f32 v25, v8;
	v5 =	vld [tilespmem:s20+$0x6800];
	v10 =	vadd.f32 v26, v10  }
0x103: {  	v4 =	vadd.f32 v20, v4;
	v2 =	vadd.f32 v2, v6;
	v9 =	vld [tilespmem:s20+$0x6810]  }
0x104: {  	v6 =	vadd.f32 v21, v8;
	v7 =	vld [tilespmem:s20+$0x6820];
	v10 =	vadd.f32 v22, v10  }
0x105: {  	v13 =	vadd.f32 v1, v4;
	v14 =	vadd.f32 v3, v2;
	v11 =	vld [tilespmem:s20+$0x6830]  }
0x106: {  	v8 =	vadd.f32 v0, v6;
	v1 =	vld [tilespmem:s20+$0x6840];
	v10 =	vadd.f32 v12, v10  }
0x107: {  	v3 =	vld [tilespmem:s20+$0x6850]  }
0x108: {  	v21 =	vld [tilespmem:s20+$0x6400]  }
0x109: {  	v22 =	vld [tilespmem:s20+$0x6410]  }
0x10a: {  	v23 =	vld [tilespmem:s20+$0x6420]  }
0x10b: {  	v24 =	vld [tilespmem:s20+$0x6430]  }
.Ltmp4:
0x10c: {  	v15 =	vld [tilespmem:s20+$0x6000];
	(pc) =	sbr.rel @p1 .LBB2_11-.Ltmp4, $4  }
0x10d: {  	v25 =	vld [tilespmem:s20+$0x6010]  }
0x10e: {  	v26 =	vld [tilespmem:s20+$0x6020]  }
0x10f: {  	v0 =	vld [tilespmem:s20+$0x6030]  }
0x110: {  	s22 =	sadd.s32 $0x1, s22;
	v20 =	vld [tilespmem:s20+$0x6440]  }
0x111: {  	v27 =	vld [tilespmem:s20+$0x6450]  }
0x112: {  	v28 =	vld [tilespmem:s20+$0x6040]  }
0x113: {  	v29 =	vld [tilespmem:s20+$0x6050]  }
0x114: {  	v30 =	vld [tilespmem:s20+$0x6060]  }
0x115: {  	v31 =	vld [tilespmem:s20+$0x6070]  }
0x116: {  	s19 =	smul.u32 @!p0 $0x24000, s19;
	v32 =	vld [tilespmem:s20+$0x6460]  }
0x117: {  	v33 =	vld [tilespmem:s20+$0x6470]  }
0x118: {  	v34 =	vld [tilespmem:s20+$0x6860];
	s19 =	sshrl.u32 @!p0 s19, $0x3  }
0x119: {  	v35 =	vld [tilespmem:s20+$0x6870];
	s20 =	simm.s32 @!p0 $0x0;
	s19 =	sadd.s32 @!p0 s2, s19  }
0x11a: {  	s21 =	simm.s32 @!p0 $0x6000;
	s30 =	simm.s32 $0x0;
	s19 =	sadd.s32 @!p0 $0xC00, s19  }
0x11b: {  	[tilespmem:s21], [sflag:$0x2] =	stream.linear.gather @!p0 [hbm4b:s19+s20], $0x6000, $0x38;
	[tilespmem:$0x12080] =	vst v63  }
0x11c: {  	s19 =	smul.u32 $0x3000, s30  }
0x11d: {  	s20 =	simm.s32 $0x0;
	_ =	swait.ge [sflag:s13], $0x6000  }
0x11e: {  	s31 =	sand.u32 $0x380, s20;
	[sflag:s13] =	ssyncset.done $0x0;
	s19 =	sshra.s32 s19, $0x2  }
0x11f: {  	[sflag:s13] =	ssyncadd.s32 $0xFFFFA000;
	s19 =	sor.u32 s31, s19  }
0x120: {  	v4 =	vld [tilespmem:s19+$0xC800]  }
0x121: {  	v12 =	vld [tilespmem:s19+$0xC810]  }
0x122: {  	v6 =	vld [tilespmem:s19+$0xC820]  }
0x123: {  	v2 =	vadd.f32 v15, v16;
	v16 =	vadd.f32 v25, v17;
	v15 =	vld [tilespmem:s19+$0xC830]  }
0x124: {  	v17 =	vadd.f32 v26, v18;
	v18 =	vadd.f32 v0, v19;
	v0 =	vld [tilespmem:s19+$0xC840]  }
0x125: {  	v19 =	vadd.f32 v21, v2;
	v21 =	vadd.f32 v22, v16;
	v2 =	vld [tilespmem:s19+$0xC850]  }
0x126: {  	v17 =	vadd.f32 v23, v17;
	v22 =	vadd.f32 v24, v18;
	v18 =	vld [tilespmem:s19+$0xC400]  }
0x127: {  	v16 =	vadd.f32 v5, v19;
	v9 =	vadd.f32 v9, v21;
	v19 =	vld [tilespmem:s19+$0xC410]  }
0x128: {  	v5 =	vadd.f32 v28, v13;
	v8 =	vadd.f32 v30, v8;
	v21 =	vld [tilespmem:s19+$0xC420]  }
0x129: {  	v17 =	vadd.f32 v7, v17;
	v7 =	vadd.f32 v29, v14;
	v13 =	vld [tilespmem:s19+$0xC430]  }
0x12a: {  	v11 =	vadd.f32 v11, v22;
	v22 =	vadd.f32 v31, v10;
	v10 =	vld [tilespmem:s19+$0xC000]  }
0x12b: {  	v5 =	vadd.f32 v20, v5;
	v8 =	vadd.f32 v32, v8;
	v14 =	vld [tilespmem:s19+$0xC010]  }
0x12c: {  	v7 =	vadd.f32 v27, v7;
	v23 =	vadd.f32 v33, v22;
	v20 =	vld [tilespmem:s19+$0xC020]  }
0x12d: {  	v5 =	vadd.f32 v1, v5;
	v22 =	vld [tilespmem:s19+$0xC030];
	v1 =	vadd.f32 v34, v8  }
0x12e: {  	s21 =	simm.s32 $0x1;
	v8 =	vld [tilespmem:s19+$0xC440];
	v7 =	vadd.f32 v3, v7;
	v3 =	vadd.f32 v35, v23  }
.LBB2_13:
0x12f: {  	p0 =	sne.s32 s21, $0x3F;
	v23 =	vld [tilespmem:s19+$0xC450]  }
0x130: {  	v24 =	vld [tilespmem:s19+$0xC040]  }
0x131: {  	v10 =	vadd.f32 v10, v16;
	v9 =	vadd.f32 v14, v9;
	v14 =	vld [tilespmem:s19+$0xC050]  }
0x132: {  	v16 =	vadd.f32 v20, v17;
	v11 =	vadd.f32 v22, v11;
	v20 =	vld [tilespmem:s19+$0xC060]  }
0x133: {  	s22 =	sshrl.u32 s21, $0x3;
	v10 =	vadd.f32 v18, v10;
	v9 =	vadd.f32 v19, v9;
	v22 =	vld [tilespmem:s19+$0xC070]  }
0x134: {  	s22 =	smul.u32 $0x3000, s22;
	v17 =	vadd.f32 v21, v16;
	v11 =	vadd.f32 v13, v11;
	v13 =	vld [tilespmem:s19+$0xC460]  }
0x135: {  	s20 =	sadd.s32 $0x80, s20;
	v16 =	vadd.f32 v4, v10;
	v9 =	vadd.f32 v12, v9;
	v18 =	vld [tilespmem:s19+$0xC470]  }
0x136: {  	s23 =	sand.u32 $0x380, s20;
	s22 =	sshra.s32 s22, $0x2;
	v17 =	vadd.f32 v6, v17;
	v11 =	vadd.f32 v15, v11;
	v10 =	vld [tilespmem:s19+$0xC860]  }
0x137: {  	v5 =	vadd.f32 v24, v5;
	v6 =	vadd.f32 v14, v7;
	v14 =	vld [tilespmem:s19+$0xC870];
	s19 =	sor.u32 s23, s22  }
0x138: {  	v1 =	vadd.f32 v20, v1;
	v4 =	vld [tilespmem:s19+$0xC800];
	v3 =	vadd.f32 v22, v3  }
0x139: {  	v5 =	vadd.f32 v8, v5;
	v7 =	vadd.f32 v23, v6;
	v12 =	vld [tilespmem:s19+$0xC810]  }
0x13a: {  	v1 =	vadd.f32 v13, v1;
	v6 =	vld [tilespmem:s19+$0xC820];
	v3 =	vadd.f32 v18, v3  }
0x13b: {  	v5 =	vadd.f32 v0, v5;
	v7 =	vadd.f32 v2, v7;
	v15 =	vld [tilespmem:s19+$0xC830]  }
0x13c: {  	v1 =	vadd.f32 v10, v1;
	v0 =	vld [tilespmem:s19+$0xC840];
	v3 =	vadd.f32 v14, v3  }
0x13d: {  	v2 =	vld [tilespmem:s19+$0xC850]  }
0x13e: {  	v18 =	vld [tilespmem:s19+$0xC400]  }
0x13f: {  	v19 =	vld [tilespmem:s19+$0xC410]  }
0x140: {  	v21 =	vld [tilespmem:s19+$0xC420]  }
0x141: {  	v13 =	vld [tilespmem:s19+$0xC430]  }
.Ltmp5:
0x142: {  	v10 =	vld [tilespmem:s19+$0xC000];
	(pc) =	sbr.rel @p0 .LBB2_13-.Ltmp5, $4  }
0x143: {  	v14 =	vld [tilespmem:s19+$0xC010]  }
0x144: {  	v20 =	vld [tilespmem:s19+$0xC020]  }
0x145: {  	v22 =	vld [tilespmem:s19+$0xC030]  }
0x146: {  	s21 =	sadd.s32 $0x1, s21;
	v8 =	vld [tilespmem:s19+$0xC440]  }
0x147: {  	v24 =	vld [tilespmem:s19+$0xC040]  }
0x148: {  	v10 =	vadd.f32 v10, v16;
	v53 =	vld [tilespmem:s19+$0xC050]  }
0x149: {  	v55 =	vld [tilespmem:s19+$0xC060];
	v9 =	vadd.f32 v14, v9  }
0x14a: {  	v56 =	vld [tilespmem:s19+$0xC070];
	v54 =	vadd.f32 v20, v17;
	v10 =	vadd.f32 v18, v10  }
0x14b: {  	v23 =	vld [tilespmem:s19+$0xC450];
	v11 =	vadd.f32 v22, v11;
	v9 =	vadd.f32 v19, v9  }
0x14c: {  	v57 =	vld [tilespmem:s19+$0xC460];
	v16 =	vadd.f32 v21, v54;
	v4 =	vadd.f32 v4, v10  }
0x14d: {  	v58 =	vld [tilespmem:s19+$0xC470];
	v11 =	vadd.f32 v13, v11;
	v9 =	vadd.f32 v12, v9  }
0x14e: {  	v60 =	vld [tilespmem:s19+$0xC860];
	v5 =	vadd.f32 v24, v5;
	v7 =	vadd.f32 v53, v7  }
0x14f: {  	v61 =	vld [tilespmem:s19+$0xC870];
	v1 =	vadd.f32 v55, v1;
	v3 =	vadd.f32 v56, v3  }
0x150: {  	v6 =	vadd.f32 v6, v16;
	v59 =	vadd.f32 v15, v11  }
0x151: {  	v5 =	vadd.f32 v8, v5;
	v7 =	vadd.f32 v23, v7  }
0x152: {  	v1 =	vadd.f32 v57, v1;
	v3 =	vadd.f32 v58, v3  }
0x153: {  	v0 =	vadd.f32 v0, v5;
	v2 =	vadd.f32 v2, v7  }
0x154: {  	v1 =	vadd.f32 v60, v1;
	v3 =	vadd.f32 v61, v3  }
0x155: {  	v4 =	vadd.f32 v9, v4;
	v62 =	vadd.f32 v59, v6  }
0x156: {  	v0 =	vadd.f32 v2, v0;
	v1 =	vadd.f32 v3, v1  }
0x157: {  	p0 =	sne.s32 s18, $0x6  }
.Ltmp6:
0x158: {  	v63 =	vadd.f32 v62, v4;
	v0 =	vadd.f32 v1, v0;
	(pc) =	sbr.rel @p0 .LBB2_2-.Ltmp6, $4  }
0x159: {  	_ = 	snop  }
0x15a: {  	s17 =	sshll.u32 s17, $0x4;
	v0 =	vadd.f32 v0, v63  }
0x15b: {  	s17 =	sand.u32 $0x3FFFFFF0, s17  }
0x15c: {  	[tilespmem:s17+$0x12000] =	vst v0;
	s17 =	smov.u32 s18  }
0x15d: {  	s16 =	sadd.s32 $0x1, s16  }
0x15e: {  	p0 =	sne.s32 s16, s8  }
.Ltmp7:
0x15f: {  	_ = 	snop;
	(pc) =	sbr.rel @p0 .LBB2_1-.Ltmp7, $4  }
0x160: {  	[hbm4b:s7+s3] =	stream.linear.scatter [tilespmem:s14], [sflag:$0x4], $0x60, $0x38;
	[tilespmem:$0x12080] =	vst v63  }
0x161: {  	_ =	swait.ge [sflag:s15], $0x60  }
0x162: {  	[sflag:s15] =	ssyncset.done $0x0  }
0x163: {  	[sflag:s15] =	ssyncadd.s32 $0xFFFFFFA0  }
0x164: {  	_ =	sfence.sel $0x180000  }
0x165: {  	[bflag:$0x0] =	sbarrier.arrive $0xFFFF  }
0x166: {  	p0 =	sne.s32 s0, $0x0;
	_ =	strace $0x90000047  }
0x167: {  	s0 =	sadd.s32 @!p0 $0x100000, s1;
	[bflag:$0x2] =	sbarrier.arrive $0xFFFF  }
0x168: {  	[sflag:s0] =	ssyncadd.tile.s32 @!p0 $0x1;
	_ =	shalt  }
.Lfunc_end2:
_tile_overlayer_lowered:
.L_overlay_start_2:
0x169: {  	(tag) =	ssettag $0x2  }
0x16a: {  	s0 =	rddreg [dreg:$0x0];
	s2 =	stileid.u32  }
0x16b: {  	s1 =	rddreg [dreg:$0x1];
	p0 =	sne.s32 s2, $0x0  }
0x16c: {  	s3 =	rddreg [dreg:$0x2];
	[bflag:$0x3] =	sbarrier.arrive $0xFFFF;
	s2 =	simm.s32 @!p0 $0x1C04  }
0x16d: {  	[timem:s3], [sflag:s2] =	dma.local @!p0 [hbm:s0], s1  }
0x16e: {  	s0 =	simm.s32 @!p0 $0x4  }
0x16f: {  	_ =	swait.ge @!p0 [sflag:s0], s1  }
0x170: {  	s1 =	ssub.s32 @!p0 $0x0, s1;
	[sflag:s0] =	ssyncset.done @!p0 $0x0  }
0x171: {  	[sflag:s0] =	ssyncadd.s32 @!p0 s1  }
0x172: {  	[bflag:$0x3] =	sbarrier.arrive $0xFFFF  }
0x173: {  	_ =	shalt  }

</sc_bundles>
